<compile_context>
chip_gen: v7x
topology: tpu7x:2x2x1
jax: 0.10.2.dev20260603
libtpu: 0.0.44.dev20260713+nightly
codegen_flags: <defaults>
</compile_context>

<pallas_src>
import functools

import jax
import jax.numpy as jnp
from jax import lax
from jax.experimental import pallas as pl
from jax.experimental.pallas import tpu as pltpu
from jax.experimental.pallas import tpu_sc as plsc

D = 256
H = 4
HD = 64
K_NN = 5
NEG = float("-inf")
BIG = 2 ** 30


def _ln(x, g, b):
    m = jnp.mean(x, axis=-1, keepdims=True)
    v = jnp.mean((x - m) ** 2, axis=-1, keepdims=True)
    return (x - m) / jnp.sqrt(v + 1e-5) * g + b


def _dot(a, b):
    return lax.dot_general(a, b, (((1,), (0,)), ((), ())),
                           preferred_element_type=jnp.float32)


def _dot_t(a, b):
    return lax.dot_general(a, b, (((1,), (1,)), ((), ())),
                           preferred_element_type=jnp.float32)


def _qproj_body(q_ref, wa_ref, ba_ref, ga_ref, bga_ref, protos_ref,
                qc_ref, qn_ref, proto_ref):
    x = _dot(q_ref[...], wa_ref[...]) + ba_ref[...]
    qc = jax.nn.relu(_ln(x, ga_ref[...], bga_ref[...]))
    qc_ref[...] = qc
    nrm = jnp.sqrt(jnp.sum(qc * qc, axis=1, keepdims=True))
    qn = qc / (nrm + 1e-12)
    qn_ref[...] = qn
    pr = protos_ref[...]
    pn = pr / (jnp.sqrt(jnp.sum(pr * pr, axis=1, keepdims=True)) + 1e-12)
    ps = _dot_t(qn, pn)
    m = jnp.max(ps, axis=1, keepdims=True)
    lane = lax.broadcasted_iota(jnp.int32, ps.shape, 1)
    am = jnp.min(jnp.where(ps == m, lane, BIG), axis=1, keepdims=True)
    onehot = (lane == am).astype(jnp.float32)
    proto_ref[...] = _dot(onehot, pr)


def _top5(vals, idxs):
    q = vals.shape[0]
    vs, ids = [], []
    s = vals
    for _ in range(K_NN):
        m = jnp.max(s, axis=1, keepdims=True)
        gi = jnp.min(jnp.where(s == m, idxs, BIG), axis=1, keepdims=True)
        vs.append(m)
        ids.append(gi)
        s = jnp.where(idxs == gi, NEG, s)
    negcol = jnp.full((q, 1), NEG, jnp.float32)
    bigcol = jnp.full((q, 1), BIG, jnp.int32)
    return (jnp.concatenate(vs + [negcol] * 3, axis=1),
            jnp.concatenate(ids + [bigcol] * 3, axis=1))


def _make_simtopk_body(bn):
    def body(keys_ref, qn_ref, wa_ref, ba_ref, ga_ref, bga_ref,
             out_ref, tv_ref, ti_ref):
        i = pl.program_id(0)
        q = qn_ref.shape[0]

        @pl.when(i == 0)
        def _():
            tv_ref[...] = jnp.full((q, 8), NEG, jnp.float32)
            ti_ref[...] = jnp.full((q, 8), BIG, jnp.int32)

        x = _dot(keys_ref[...], wa_ref[...]) + ba_ref[...]
        kc = jax.nn.relu(_ln(x, ga_ref[...], bga_ref[...]))
        nrm = jnp.sqrt(jnp.sum(kc * kc, axis=1, keepdims=True))
        kn = kc / (nrm + 1e-12)
        sim = _dot_t(qn_ref[...], kn)
        gidx = i * bn + lax.broadcasted_iota(jnp.int32, sim.shape, 1)
        bv, bi = _top5(sim, gidx)
        mv = jnp.concatenate([tv_ref[...], bv], axis=1)
        mi = jnp.concatenate([ti_ref[...], bi], axis=1)
        nv, ni = _top5(mv, mi)
        tv_ref[...] = nv
        ti_ref[...] = ni
        out_ref[...] = ni

    return body


def _make_gather(dk, dv, b):
    info = plsc.get_sparse_core_info()
    nc, ns = info.num_cores, info.num_subcores
    nw = nc * ns
    b_per_w = b // nw
    ch = min(b_per_w, 80)
    nch = b_per_w // ch
    mesh = plsc.VectorSubcoreMesh(core_axis_name="c", subcore_axis_name="s")

    @functools.partial(
        pl.kernel, mesh=mesh,
        out_type=[jax.ShapeDtypeStruct((b, dk), jnp.float32),
                  jax.ShapeDtypeStruct((b, dv), jnp.float32)],
        scratch_types=[
            pltpu.VMEM((ch,), jnp.int32),
            pltpu.VMEM((ch, dk), jnp.float32),
            pltpu.VMEM((ch, dv), jnp.float32),
            pltpu.SemaphoreType.DMA,
            pltpu.SemaphoreType.DMA,
        ],
    )
    def gather(keys_hbm, values_hbm, idx_hbm, gk_hbm, gv_hbm,
               idx_v, rk_v, rv_v, sem_k, sem_v):
        wid = lax.axis_index("s") * nc + lax.axis_index("c")
        for c in range(nch):
            base = wid * b_per_w + c * ch
            pltpu.sync_copy(idx_hbm.at[pl.ds(base, ch)], idx_v)
            cpk = pltpu.async_copy(keys_hbm.at[idx_v], rk_v, sem_k)
            cpv = pltpu.async_copy(values_hbm.at[idx_v], rv_v, sem_v)
            cpk.wait()
            cpv.wait()
            pltpu.sync_copy(rk_v, gk_hbm.at[pl.ds(base, ch)])
            pltpu.sync_copy(rv_v, gv_hbm.at[pl.ds(base, ch)])

    return gather


def _attn_body(*refs):
    (qc_ref, proto_ref,
     gk0, gk1, gk2, gk3, gk4, gv0, gv1, gv2, gv3, gv4,
     wa, ba, ga, bga, wm, bm, gm, bgm,
     wq, bq, wk, bk, wv, bv, wo, bo,
     g1, b1, wf1, bf1, wf2, bf2, g2, b2, out_ref) = refs
    gks = [gk0, gk1, gk2, gk3, gk4]
    gvs = [gv0, gv1, gv2, gv3, gv4]
    qc = qc_ref[...]
    proto = proto_ref[...]
    q = qc.shape[0]
    lane = lax.broadcasted_iota(jnp.int32, (q, D), 1)
    masks = [(lane // HD == h).astype(jnp.float32) for h in range(H)]
    qp = _dot(qc, wq[...]) + bq[...]
    kps = [_dot(proto, wk[...]) + bk[...]]
    vps = [_dot(proto, wv[...]) + bv[...]]
    for j in range(K_NN):
        a = jax.nn.relu(_ln(_dot(gks[j][...], wa[...]) + ba[...],
                            ga[...], bga[...]))
        mm = jax.nn.relu(_ln(_dot(gvs[j][...], wm[...]) + bm[...],
                             gm[...], bgm[...]))
        kps.append(_dot(a, wk[...]) + bk[...])
        vps.append(_dot(mm, wv[...]) + bv[...])
    logits = []
    for l in range(K_NN + 1):
        prod = qp * kps[l]
        cols = [jnp.sum(prod * masks[h], axis=1, keepdims=True)
                for h in range(H)]
        logits.append(jnp.concatenate(cols, axis=1) / 8.0)
    mx = logits[0]
    for l in range(1, K_NN + 1):
        mx = jnp.maximum(mx, logits[l])
    es = [jnp.exp(lg - mx) for lg in logits]
    ssum = es[0]
    for l in range(1, K_NN + 1):
        ssum = ssum + es[l]
    ao = jnp.zeros((q, D), jnp.float32)
    for l in range(K_NN + 1):
        w = es[l] / ssum
        wfull = masks[0] * w[:, 0:1]
        for h in range(1, H):
            wfull = wfull + masks[h] * w[:, h:h + 1]
        ao = ao + wfull * vps[l]
    ao = _dot(ao, wo[...]) + bo[...]
    o1 = _ln(ao + proto, g1[...], b1[...])
    hid = jax.nn.relu(_dot(o1, wf1[...]) + bf1[...])
    ffn = _dot(hid, wf2[...]) + bf2[...]
    out_ref[...] = _ln(ffn + o1, g2[...], b2[...]) + proto


def _pick_bn(n):
    for bn in range(2048, 7, -8):
        if n % bn == 0:
            return bn
    return n


def kernel(queries, keys, values, params):
    p = params
    q, _ = queries.shape
    n, dk = keys.shape
    dv = values.shape[1]
    r = lambda v: v.reshape(1, -1)

    f32 = jnp.float32
    qc, qn, proto = pl.pallas_call(
        _qproj_body,
        out_shape=[jax.ShapeDtypeStruct((q, D), f32)] * 3,
    )(queries, p['Wa'], r(p['ba']), r(p['ga']), r(p['bga']), p['protos'])

    bn = _pick_bn(n)
    top = pl.pallas_call(
        _make_simtopk_body(bn),
        grid=(n // bn,),
        in_specs=[
            pl.BlockSpec((bn, dk), lambda i: (i, 0)),
            pl.BlockSpec((q, D), lambda i: (0, 0)),
            pl.BlockSpec((dk, D), lambda i: (0, 0)),
            pl.BlockSpec((1, D), lambda i: (0, 0)),
            pl.BlockSpec((1, D), lambda i: (0, 0)),
            pl.BlockSpec((1, D), lambda i: (0, 0)),
        ],
        out_specs=pl.BlockSpec((q, 8), lambda i: (0, 0)),
        out_shape=jax.ShapeDtypeStruct((q, 8), jnp.int32),
        scratch_shapes=[
            pltpu.VMEM((q, 8), f32),
            pltpu.VMEM((q, 8), jnp.int32),
        ],
        compiler_params=pltpu.CompilerParams(
            dimension_semantics=("arbitrary",)),
    )(keys, qn, p['Wa'], r(p['ba']), r(p['ga']), r(p['bga']))

    flat_idx = top[:, :K_NN].reshape(-1)
    gk, gv = _make_gather(dk, dv, q * K_NN)(keys, values, flat_idx)
    gk = gk.reshape(q, K_NN, dk)
    gv = gv.reshape(q, K_NN, dv)
    gk_l = [gk[:, j] for j in range(K_NN)]
    gv_l = [gv[:, j] for j in range(K_NN)]

    out = pl.pallas_call(
        _attn_body,
        out_shape=jax.ShapeDtypeStruct((q, D), f32),
    )(qc, proto, *gk_l, *gv_l,
      p['Wa'], r(p['ba']), r(p['ga']), r(p['bga']),
      p['Wm'], r(p['bm']), r(p['gm']), r(p['bgm']),
      p['Wq'], r(p['bq']), p['Wk'], r(p['bk']),
      p['Wv'], r(p['bv']), p['Wo'], r(p['bo']),
      r(p['g1']), r(p['b1']), p['Wf1'], r(p['bf1']),
      p['Wf2'], r(p['bf2']), r(p['g2']), r(p['b2']))
    return out

# --- scband reference (transcript-rebuilt; emitter-appended) ---
"""Pipeline reference for scband-prototype-emotion-model-12000138625292 (READ-ONLY COPY).

The authoritative reference and input builder live on the scoring server;
editing this copy changes nothing except your own understanding.
"""

import jax, jax.numpy as jnp
import numpy as np

D = 256
H = 4
K_NN = 5
N_PROTO = 7

def _ln(x, g, b):
    m = jnp.mean(x, axis=-1, keepdims=True)
    v = jnp.mean((x - m) ** 2, axis=-1, keepdims=True)
    return (x - m) / jnp.sqrt(v + 1e-5) * g + b

def _norm(x):
    return x / (jnp.linalg.norm(x, axis=-1, keepdims=True) + 1e-12)

def setup_inputs(seed: int = 0) -> dict:
    key = jax.random.key(seed)
    ks = jax.random.split(key, 16)
    Q, N = 1024, 100000
    d_avail, d_miss = 512, 256
    queries = jax.random.normal(ks[0], (Q, d_avail), dtype=jnp.float32)
    keys = jax.random.normal(ks[1], (N, d_avail), dtype=jnp.float32)
    values = jax.random.normal(ks[2], (N, d_miss), dtype=jnp.float32)
    def lin(k, i, o):
        return jax.random.normal(k, (i, o), dtype=jnp.float32) / np.sqrt(i)
    params = {
        'Wa': lin(ks[3], d_avail, D), 'ba': jnp.zeros(D), 'ga': jnp.ones(D), 'bga': jnp.zeros(D),
        'Wm': lin(ks[4], d_miss, D), 'bm': jnp.zeros(D), 'gm': jnp.ones(D), 'bgm': jnp.zeros(D),
        'protos': jax.random.normal(ks[5], (N_PROTO, D), dtype=jnp.float32),
        'Wq': lin(ks[6], D, D), 'bq': jnp.zeros(D),
        'Wk': lin(ks[7], D, D), 'bk': jnp.zeros(D),
        'Wv': lin(ks[8], D, D), 'bv': jnp.zeros(D),
        'Wo': lin(ks[9], D, D), 'bo': jnp.zeros(D),
        'g1': jnp.ones(D), 'b1': jnp.zeros(D),
        'Wf1': lin(ks[10], D, 4 * D), 'bf1': jnp.zeros(4 * D),
        'Wf2': lin(ks[11], 4 * D, D), 'bf2': jnp.zeros(D),
        'g2': jnp.ones(D), 'b2': jnp.zeros(D),
    }
    return {'queries': queries, 'keys': keys, 'values': values, 'params': params}

def _forward(queries, keys, values, p):
    hd = D // H
    # modality projections (Linear + LayerNorm + ReLU), as in PNFCModule
    q_c = jax.nn.relu(_ln(queries @ p['Wa'] + p['ba'], p['ga'], p['bga']))
    k_c = jax.nn.relu(_ln(keys @ p['Wa'] + p['ba'], p['ga'], p['bga']))
    v_c = jax.nn.relu(_ln(values @ p['Wm'] + p['bm'], p['gm'], p['bgm']))
    # cosine-similarity kNN search over candidate bank
    qn = _norm(q_c)
    kn = _norm(k_c)
    sim = qn @ kn.T
    top_vals, top_idx = jax.lax.top_k(sim, K_NN)
    nb_a = jnp.take(k_c, top_idx, axis=0)  # [Q, k, D]
    nb_m = jnp.take(v_c, top_idx, axis=0)  # [Q, k, D]
    # nearest prototype per query
    pn = _norm(p['protos'])
    pidx = jnp.argmax(qn @ pn.T, axis=-1)
    proto = jnp.take(p['protos'], pidx, axis=0)  # [Q, D]
    # cross attention: Q = available feat; K = [proto; avail neighbors]; V = [proto; missing neighbors]
    Qin = q_c[:, None, :]
    Kin = jnp.concatenate([proto[:, None, :], nb_a], axis=1)
    Vin = jnp.concatenate([proto[:, None, :], nb_m], axis=1)
    def heads(x, W, b):
        y = x @ W + b
        B, L, _ = y.shape
        return y.reshape(B, L, H, hd).transpose(0, 2, 1, 3)
    qh = heads(Qin, p['Wq'], p['bq'])
    kh = heads(Kin, p['Wk'], p['bk'])
    vh = heads(Vin, p['Wv'], p['bv'])
    att = jax.nn.softmax(jnp.einsum('bhqe,bhke->bhqk', qh, kh) / np.sqrt(hd), axis=-1)
    ao = jnp.einsum('bhqk,bhke->bhqe', att, vh)
    ao = ao.transpose(0, 2, 1, 3).reshape(-1, 1, D)
    ao = (ao @ p['Wo'] + p['bo'])[:, 0, :]
    out = _ln(ao + proto, p['g1'], p['b1'])
    ffn = jax.nn.relu(out @ p['Wf1'] + p['bf1']) @ p['Wf2'] + p['bf2']
    out = _ln(ffn + out, p['g2'], p['b2']) + proto
    return out

def reference(queries, keys, values, params):
    return _forward(queries, keys, values, params)

if __name__ == "__main__":
    import jax
    _d = setup_inputs()
    print(jax.jit(kernel)(*tuple(_d.values())))

</pallas_src>

<mosaic_0001>
#map = affine_map<(d0, d1) -> (0, 0)>
#map1 = affine_map<(d0, d1) -> (0)>
module attributes {stable_mosaic.version = 14 : i64} {
  func.func @gather(%arg0: i32, %arg1: i32, %arg2: memref<100000x512xf32, #tpu.memory_space<hbm>>, %arg3: memref<100000x256xf32, #tpu.memory_space<hbm>>, %arg4: memref<5120xi32, #tpu.memory_space<hbm>>, %arg5: memref<5120x512xf32, #tpu.memory_space<hbm>>, %arg6: memref<5120x256xf32, #tpu.memory_space<hbm>>, %arg7: memref<80xi32, #tpu.memory_space<vmem>>, %arg8: memref<80x512xf32, #tpu.memory_space<vmem>>, %arg9: memref<80x256xf32, #tpu.memory_space<vmem>>, %arg10: memref<!tpu.dma_semaphore, #tpu.memory_space<semaphore_mem>>, %arg11: memref<!tpu.dma_semaphore, #tpu.memory_space<semaphore_mem>>) attributes {dimension_semantics = [#tpu.dimension_semantics<core_parallel>, #tpu.dimension_semantics<subcore_parallel>], iteration_bounds = array<i64: 2, 16>, scalar_prefetch = 0 : i64, scratch_operands = 5 : i64, tpu.core_type = #tpu.core_type<sc_vector_subcore>, window_params = [{transform_indices = #map}, {transform_indices = #map}, {transform_indices = #map1}, {transform_indices = #map}, {transform_indices = #map}]} {
    %mul3A = arith.constant 2 : i32
    %mul3A_0 = arith.muli %arg1, %mul3A : i32
    %add3A = arith.addi %mul3A_0, %arg0 : i32
    %mul3A_1 = arith.constant 160 : i32
    %mul3A_2 = arith.muli %add3A, %mul3A_1 : i32
    %add3A_3 = arith.constant 0 : i32
    %add3A_4 = arith.addi %mul3A_2, %add3A_3 : i32
    "tpu.region"() ({
      %run_scoped3A = tpu.sem_alloc : memref<!tpu.dma_semaphore, #tpu.memory_space<semaphore_mem>>
      %dma_start3A_31 = tpu.memref_slice %arg4[%add3A_4] : memref<5120xi32, #tpu.memory_space<hbm>> -> memref<80xi32, #tpu.memory_space<hbm>>
      %dma_start3A_32 = tpu.memref_slice %arg4[%add3A_4] : memref<5120xi32, #tpu.memory_space<hbm>> -> memref<80xi32, #tpu.memory_space<hbm>>
      tpu.enqueue_dma source(%dma_start3A_32 : memref<80xi32, #tpu.memory_space<hbm>>) target(%arg7 : memref<80xi32, #tpu.memory_space<vmem>>) target_semaphore(%run_scoped3A : memref<!tpu.dma_semaphore, #tpu.memory_space<semaphore_mem>>)
      %dma_wait3A_33 = tpu.memref_slice %arg4[%add3A_4] : memref<5120xi32, #tpu.memory_space<hbm>> -> memref<80xi32, #tpu.memory_space<hbm>>
      %dma_wait3A_34 = tpu.memref_slice %arg4[%add3A_4] : memref<5120xi32, #tpu.memory_space<hbm>> -> memref<80xi32, #tpu.memory_space<hbm>>
      tpu.wait_dma2 semaphore(%run_scoped3A : memref<!tpu.dma_semaphore, #tpu.memory_space<semaphore_mem>>) src(%dma_wait3A_34 : memref<80xi32, #tpu.memory_space<hbm>>) dst(%arg7 : memref<80xi32, #tpu.memory_space<vmem>>)
      tpu.yield
    }) : () -> ()
    %dma_start3A = arith.constant 0 : i32
    %dma_start3A_5 = arith.constant 0 : i32
    %dma_start3A_6 = tpu.memref_slice %arg2[%dma_start3A, %dma_start3A_5] : memref<100000x512xf32, #tpu.memory_space<hbm>> -> memref<100000x512xf32, #tpu.memory_space<hbm>>
    tpu.enqueue_indirect_dma source(%dma_start3A_6 : memref<100000x512xf32, #tpu.memory_space<hbm>>) target(%arg8 : memref<80x512xf32, #tpu.memory_space<vmem>>) offsets(%arg7 : memref<80xi32, #tpu.memory_space<vmem>>) semaphore(%arg10 : memref<!tpu.dma_semaphore, #tpu.memory_space<semaphore_mem>>)
    %dma_start3A_7 = arith.constant 0 : i32
    %dma_start3A_8 = arith.constant 0 : i32
    %dma_start3A_9 = tpu.memref_slice %arg3[%dma_start3A_7, %dma_start3A_8] : memref<100000x256xf32, #tpu.memory_space<hbm>> -> memref<100000x256xf32, #tpu.memory_space<hbm>>
    tpu.enqueue_indirect_dma source(%dma_start3A_9 : memref<100000x256xf32, #tpu.memory_space<hbm>>) target(%arg9 : memref<80x256xf32, #tpu.memory_space<vmem>>) offsets(%arg7 : memref<80xi32, #tpu.memory_space<vmem>>) semaphore(%arg11 : memref<!tpu.dma_semaphore, #tpu.memory_space<semaphore_mem>>)
    %dma_wait3A = arith.constant 0 : i32
    %dma_wait3A_10 = arith.constant 0 : i32
    %dma_wait3A_11 = tpu.memref_slice %arg2[%dma_wait3A, %dma_wait3A_10] : memref<100000x512xf32, #tpu.memory_space<hbm>> -> memref<100000x512xf32, #tpu.memory_space<hbm>>
    tpu.wait_indirect_dma semaphore(%arg10 : memref<!tpu.dma_semaphore, #tpu.memory_space<semaphore_mem>>) src(%dma_wait3A_11 : memref<100000x512xf32, #tpu.memory_space<hbm>>) dst(%arg8 : memref<80x512xf32, #tpu.memory_space<vmem>>)
    %dma_wait3A_12 = arith.constant 0 : i32
    %dma_wait3A_13 = arith.constant 0 : i32
    %dma_wait3A_14 = tpu.memref_slice %arg3[%dma_wait3A_12, %dma_wait3A_13] : memref<100000x256xf32, #tpu.memory_space<hbm>> -> memref<100000x256xf32, #tpu.memory_space<hbm>>
    tpu.wait_indirect_dma semaphore(%arg11 : memref<!tpu.dma_semaphore, #tpu.memory_space<semaphore_mem>>) src(%dma_wait3A_14 : memref<100000x256xf32, #tpu.memory_space<hbm>>) dst(%arg9 : memref<80x256xf32, #tpu.memory_space<vmem>>)
    "tpu.region"() ({
      %run_scoped3A = tpu.sem_alloc : memref<!tpu.dma_semaphore, #tpu.memory_space<semaphore_mem>>
      %dma_start3A_31 = arith.constant 0 : i32
      %dma_start3A_32 = tpu.memref_slice %arg5[%add3A_4, %dma_start3A_31] : memref<5120x512xf32, #tpu.memory_space<hbm>> -> memref<80x512xf32, #tpu.memory_space<hbm>>
      %dma_start3A_33 = arith.constant 0 : i32
      %dma_start3A_34 = tpu.memref_slice %arg5[%add3A_4, %dma_start3A_33] : memref<5120x512xf32, #tpu.memory_space<hbm>> -> memref<80x512xf32, #tpu.memory_space<hbm>>
      tpu.enqueue_dma source(%arg8 : memref<80x512xf32, #tpu.memory_space<vmem>>) target(%dma_start3A_34 : memref<80x512xf32, #tpu.memory_space<hbm>>) target_semaphore(%run_scoped3A : memref<!tpu.dma_semaphore, #tpu.memory_space<semaphore_mem>>)
      %dma_wait3A_35 = arith.constant 0 : i32
      %dma_wait3A_36 = tpu.memref_slice %arg5[%add3A_4, %dma_wait3A_35] : memref<5120x512xf32, #tpu.memory_space<hbm>> -> memref<80x512xf32, #tpu.memory_space<hbm>>
      %dma_wait3A_37 = arith.constant 0 : i32
      %dma_wait3A_38 = tpu.memref_slice %arg5[%add3A_4, %dma_wait3A_37] : memref<5120x512xf32, #tpu.memory_space<hbm>> -> memref<80x512xf32, #tpu.memory_space<hbm>>
      tpu.wait_dma2 semaphore(%run_scoped3A : memref<!tpu.dma_semaphore, #tpu.memory_space<semaphore_mem>>) src(%arg8 : memref<80x512xf32, #tpu.memory_space<vmem>>) dst(%dma_wait3A_38 : memref<80x512xf32, #tpu.memory_space<hbm>>)
      tpu.yield
    }) : () -> ()
    "tpu.region"() ({
      %run_scoped3A = tpu.sem_alloc : memref<!tpu.dma_semaphore, #tpu.memory_space<semaphore_mem>>
      %dma_start3A_31 = arith.constant 0 : i32
      %dma_start3A_32 = tpu.memref_slice %arg6[%add3A_4, %dma_start3A_31] : memref<5120x256xf32, #tpu.memory_space<hbm>> -> memref<80x256xf32, #tpu.memory_space<hbm>>
      %dma_start3A_33 = arith.constant 0 : i32
      %dma_start3A_34 = tpu.memref_slice %arg6[%add3A_4, %dma_start3A_33] : memref<5120x256xf32, #tpu.memory_space<hbm>> -> memref<80x256xf32, #tpu.memory_space<hbm>>
      tpu.enqueue_dma source(%arg9 : memref<80x256xf32, #tpu.memory_space<vmem>>) target(%dma_start3A_34 : memref<80x256xf32, #tpu.memory_space<hbm>>) target_semaphore(%run_scoped3A : memref<!tpu.dma_semaphore, #tpu.memory_space<semaphore_mem>>)
      %dma_wait3A_35 = arith.constant 0 : i32
      %dma_wait3A_36 = tpu.memref_slice %arg6[%add3A_4, %dma_wait3A_35] : memref<5120x256xf32, #tpu.memory_space<hbm>> -> memref<80x256xf32, #tpu.memory_space<hbm>>
      %dma_wait3A_37 = arith.constant 0 : i32
      %dma_wait3A_38 = tpu.memref_slice %arg6[%add3A_4, %dma_wait3A_37] : memref<5120x256xf32, #tpu.memory_space<hbm>> -> memref<80x256xf32, #tpu.memory_space<hbm>>
      tpu.wait_dma2 semaphore(%run_scoped3A : memref<!tpu.dma_semaphore, #tpu.memory_space<semaphore_mem>>) src(%arg9 : memref<80x256xf32, #tpu.memory_space<vmem>>) dst(%dma_wait3A_38 : memref<80x256xf32, #tpu.memory_space<hbm>>)
      tpu.yield
    }) : () -> ()
    %mul3A_15 = arith.constant 160 : i32
    %mul3A_16 = arith.muli %add3A, %mul3A_15 : i32
    %add3A_17 = arith.constant 80 : i32
    %add3A_18 = arith.addi %mul3A_16, %add3A_17 : i32
    "tpu.region"() ({
      %run_scoped3A = tpu.sem_alloc : memref<!tpu.dma_semaphore, #tpu.memory_space<semaphore_mem>>
      %dma_start3A_31 = tpu.memref_slice %arg4[%add3A_18] : memref<5120xi32, #tpu.memory_space<hbm>> -> memref<80xi32, #tpu.memory_space<hbm>>
      %dma_start3A_32 = tpu.memref_slice %arg4[%add3A_18] : memref<5120xi32, #tpu.memory_space<hbm>> -> memref<80xi32, #tpu.memory_space<hbm>>
      tpu.enqueue_dma source(%dma_start3A_32 : memref<80xi32, #tpu.memory_space<hbm>>) target(%arg7 : memref<80xi32, #tpu.memory_space<vmem>>) target_semaphore(%run_scoped3A : memref<!tpu.dma_semaphore, #tpu.memory_space<semaphore_mem>>)
      %dma_wait3A_33 = tpu.memref_slice %arg4[%add3A_18] : memref<5120xi32, #tpu.memory_space<hbm>> -> memref<80xi32, #tpu.memory_space<hbm>>
      %dma_wait3A_34 = tpu.memref_slice %arg4[%add3A_18] : memref<5120xi32, #tpu.memory_space<hbm>> -> memref<80xi32, #tpu.memory_space<hbm>>
      tpu.wait_dma2 semaphore(%run_scoped3A : memref<!tpu.dma_semaphore, #tpu.memory_space<semaphore_mem>>) src(%dma_wait3A_34 : memref<80xi32, #tpu.memory_space<hbm>>) dst(%arg7 : memref<80xi32, #tpu.memory_space<vmem>>)
      tpu.yield
    }) : () -> ()
    %dma_start3A_19 = arith.constant 0 : i32
    %dma_start3A_20 = arith.constant 0 : i32
    %dma_start3A_21 = tpu.memref_slice %arg2[%dma_start3A_19, %dma_start3A_20] : memref<100000x512xf32, #tpu.memory_space<hbm>> -> memref<100000x512xf32, #tpu.memory_space<hbm>>
    tpu.enqueue_indirect_dma source(%dma_start3A_21 : memref<100000x512xf32, #tpu.memory_space<hbm>>) target(%arg8 : memref<80x512xf32, #tpu.memory_space<vmem>>) offsets(%arg7 : memref<80xi32, #tpu.memory_space<vmem>>) semaphore(%arg10 : memref<!tpu.dma_semaphore, #tpu.memory_space<semaphore_mem>>)
    %dma_start3A_22 = arith.constant 0 : i32
    %dma_start3A_23 = arith.constant 0 : i32
    %dma_start3A_24 = tpu.memref_slice %arg3[%dma_start3A_22, %dma_start3A_23] : memref<100000x256xf32, #tpu.memory_space<hbm>> -> memref<100000x256xf32, #tpu.memory_space<hbm>>
    tpu.enqueue_indirect_dma source(%dma_start3A_24 : memref<100000x256xf32, #tpu.memory_space<hbm>>) target(%arg9 : memref<80x256xf32, #tpu.memory_space<vmem>>) offsets(%arg7 : memref<80xi32, #tpu.memory_space<vmem>>) semaphore(%arg11 : memref<!tpu.dma_semaphore, #tpu.memory_space<semaphore_mem>>)
    %dma_wait3A_25 = arith.constant 0 : i32
    %dma_wait3A_26 = arith.constant 0 : i32
    %dma_wait3A_27 = tpu.memref_slice %arg2[%dma_wait3A_25, %dma_wait3A_26] : memref<100000x512xf32, #tpu.memory_space<hbm>> -> memref<100000x512xf32, #tpu.memory_space<hbm>>
    tpu.wait_indirect_dma semaphore(%arg10 : memref<!tpu.dma_semaphore, #tpu.memory_space<semaphore_mem>>) src(%dma_wait3A_27 : memref<100000x512xf32, #tpu.memory_space<hbm>>) dst(%arg8 : memref<80x512xf32, #tpu.memory_space<vmem>>)
    %dma_wait3A_28 = arith.constant 0 : i32
    %dma_wait3A_29 = arith.constant 0 : i32
    %dma_wait3A_30 = tpu.memref_slice %arg3[%dma_wait3A_28, %dma_wait3A_29] : memref<100000x256xf32, #tpu.memory_space<hbm>> -> memref<100000x256xf32, #tpu.memory_space<hbm>>
    tpu.wait_indirect_dma semaphore(%arg11 : memref<!tpu.dma_semaphore, #tpu.memory_space<semaphore_mem>>) src(%dma_wait3A_30 : memref<100000x256xf32, #tpu.memory_space<hbm>>) dst(%arg9 : memref<80x256xf32, #tpu.memory_space<vmem>>)
    "tpu.region"() ({
      %run_scoped3A = tpu.sem_alloc : memref<!tpu.dma_semaphore, #tpu.memory_space<semaphore_mem>>
      %dma_start3A_31 = arith.constant 0 : i32
      %dma_start3A_32 = tpu.memref_slice %arg5[%add3A_18, %dma_start3A_31] : memref<5120x512xf32, #tpu.memory_space<hbm>> -> memref<80x512xf32, #tpu.memory_space<hbm>>
      %dma_start3A_33 = arith.constant 0 : i32
      %dma_start3A_34 = tpu.memref_slice %arg5[%add3A_18, %dma_start3A_33] : memref<5120x512xf32, #tpu.memory_space<hbm>> -> memref<80x512xf32, #tpu.memory_space<hbm>>
      tpu.enqueue_dma source(%arg8 : memref<80x512xf32, #tpu.memory_space<vmem>>) target(%dma_start3A_34 : memref<80x512xf32, #tpu.memory_space<hbm>>) target_semaphore(%run_scoped3A : memref<!tpu.dma_semaphore, #tpu.memory_space<semaphore_mem>>)
      %dma_wait3A_35 = arith.constant 0 : i32
      %dma_wait3A_36 = tpu.memref_slice %arg5[%add3A_18, %dma_wait3A_35] : memref<5120x512xf32, #tpu.memory_space<hbm>> -> memref<80x512xf32, #tpu.memory_space<hbm>>
      %dma_wait3A_37 = arith.constant 0 : i32
      %dma_wait3A_38 = tpu.memref_slice %arg5[%add3A_18, %dma_wait3A_37] : memref<5120x512xf32, #tpu.memory_space<hbm>> -> memref<80x512xf32, #tpu.memory_space<hbm>>
      tpu.wait_dma2 semaphore(%run_scoped3A : memref<!tpu.dma_semaphore, #tpu.memory_space<semaphore_mem>>) src(%arg8 : memref<80x512xf32, #tpu.memory_space<vmem>>) dst(%dma_wait3A_38 : memref<80x512xf32, #tpu.memory_space<hbm>>)
      tpu.yield
    }) : () -> ()
    "tpu.region"() ({
      %run_scoped3A = tpu.sem_alloc : memref<!tpu.dma_semaphore, #tpu.memory_space<semaphore_mem>>
      %dma_start3A_31 = arith.constant 0 : i32
      %dma_start3A_32 = tpu.memref_slice %arg6[%add3A_18, %dma_start3A_31] : memref<5120x256xf32, #tpu.memory_space<hbm>> -> memref<80x256xf32, #tpu.memory_space<hbm>>
      %dma_start3A_33 = arith.constant 0 : i32
      %dma_start3A_34 = tpu.memref_slice %arg6[%add3A_18, %dma_start3A_33] : memref<5120x256xf32, #tpu.memory_space<hbm>> -> memref<80x256xf32, #tpu.memory_space<hbm>>
      tpu.enqueue_dma source(%arg9 : memref<80x256xf32, #tpu.memory_space<vmem>>) target(%dma_start3A_34 : memref<80x256xf32, #tpu.memory_space<hbm>>) target_semaphore(%run_scoped3A : memref<!tpu.dma_semaphore, #tpu.memory_space<semaphore_mem>>)
      %dma_wait3A_35 = arith.constant 0 : i32
      %dma_wait3A_36 = tpu.memref_slice %arg6[%add3A_18, %dma_wait3A_35] : memref<5120x256xf32, #tpu.memory_space<hbm>> -> memref<80x256xf32, #tpu.memory_space<hbm>>
      %dma_wait3A_37 = arith.constant 0 : i32
      %dma_wait3A_38 = tpu.memref_slice %arg6[%add3A_18, %dma_wait3A_37] : memref<5120x256xf32, #tpu.memory_space<hbm>> -> memref<80x256xf32, #tpu.memory_space<hbm>>
      tpu.wait_dma2 semaphore(%run_scoped3A : memref<!tpu.dma_semaphore, #tpu.memory_space<semaphore_mem>>) src(%arg9 : memref<80x256xf32, #tpu.memory_space<vmem>>) dst(%dma_wait3A_38 : memref<80x256xf32, #tpu.memory_space<hbm>>)
      tpu.yield
    }) : () -> ()
    return
  }
}

module attributes {stable_mosaic.version = 14 : i64} {
  func.func @body(%arg0: i32, %arg1: memref<2000x512xf32, #tpu.memory_space<vmem>>, %arg2: memref<1024x256xf32, #tpu.memory_space<vmem>>, %arg3: memref<512x256xf32, #tpu.memory_space<vmem>>, %arg4: memref<1x256xf32, #tpu.memory_space<vmem>>, %arg5: memref<1x256xf32, #tpu.memory_space<vmem>>, %arg6: memref<1x256xf32, #tpu.memory_space<vmem>>, %arg7: memref<1024x8xi32, #tpu.memory_space<vmem>>, %arg8: memref<1024x8xf32, #tpu.memory_space<vmem>>, %arg9: memref<1024x8xi32, #tpu.memory_space<vmem>>) attributes {dimension_semantics = [#tpu.dimension_semantics<arbitrary>], iteration_bounds = array<i64: 50>, scalar_prefetch = 0 : i64, scratch_operands = 2 : i64, tpu.core_type = #tpu.core_type<tc>, window_params = [{transform_indices = @transform_0, window_bounds = array<i64: 2000, 512>}, {pipeline_mode = #tpu.pipeline_mode<synchronous>, transform_indices = @transform_1, window_bounds = array<i64: 1024, 256>}, {pipeline_mode = #tpu.pipeline_mode<synchronous>, transform_indices = @transform_2, window_bounds = array<i64: 512, 256>}, {pipeline_mode = #tpu.pipeline_mode<synchronous>, transform_indices = @transform_3, window_bounds = array<i64: 1, 256>}, {pipeline_mode = #tpu.pipeline_mode<synchronous>, transform_indices = @transform_4, window_bounds = array<i64: 1, 256>}, {pipeline_mode = #tpu.pipeline_mode<synchronous>, transform_indices = @transform_5, window_bounds = array<i64: 1, 256>}, {pipeline_mode = #tpu.pipeline_mode<synchronous>, transform_indices = @transform_6, window_bounds = array<i64: 1024, 8>}]} {
    %eq3A = arith.constant 0 : i32
    %eq3A_0 = arith.cmpi eq, %arg0, %eq3A : i32
    %convert_element_type3A = arith.extui %eq3A_0 : i1 to i32
    %cond3A = arith.constant 0 : i32
    %cond3A_1 = arith.cmpi ne, %convert_element_type3A, %cond3A : i32
    scf.if %cond3A_1 {
      %broadcast_in_dim3A_232 = arith.constant 0xFF800000 : f32
      %broadcast_in_dim3A_233 = vector.broadcast %broadcast_in_dim3A_232 : f32 to vector<1024x8xf32>
      %swap3A_234 = arith.constant 0 : index
      %swap3A_235 = arith.constant 0 : index
      %swap3A_236 = vector.load %arg8[%swap3A_234, %swap3A_235] : memref<1024x8xf32, #tpu.memory_space<vmem>>, vector<1024x8xf32>
      tpu.vector_store %arg8[%swap3A_234, %swap3A_235], %broadcast_in_dim3A_233 {strides = array<i32>} : memref<1024x8xf32, #tpu.memory_space<vmem>>, vector<1024x8xf32>,
      %broadcast_in_dim3A_237 = arith.constant 1073741824 : i32
      %broadcast_in_dim3A_238 = vector.broadcast %broadcast_in_dim3A_237 : i32 to vector<1024x8xi32>
      %swap3A_239 = arith.constant 0 : index
      %swap3A_240 = arith.constant 0 : index
      %swap3A_241 = vector.load %arg9[%swap3A_239, %swap3A_240] : memref<1024x8xi32, #tpu.memory_space<vmem>>, vector<1024x8xi32>
      tpu.vector_store %arg9[%swap3A_239, %swap3A_240], %broadcast_in_dim3A_238 {strides = array<i32>} : memref<1024x8xi32, #tpu.memory_space<vmem>>, vector<1024x8xi32>,
    } else {
    }
    %get3A = arith.constant 0 : index
    %get3A_2 = arith.constant 0 : index
    %get3A_3 = vector.load %arg1[%get3A, %get3A_2] : memref<2000x512xf32, #tpu.memory_space<vmem>>, vector<2000x512xf32>
    %get3A_4 = arith.constant 0 : index
    %get3A_5 = arith.constant 0 : index
    %get3A_6 = vector.load %arg3[%get3A_4, %get3A_5] : memref<512x256xf32, #tpu.memory_space<vmem>>, vector<512x256xf32>
    %dot_general3A = arith.constant dense<0.000000e+00> : vector<2000x256xf32>
    %dot_general3A_7 = tpu.matmul %get3A_3, %get3A_6, %dot_general3A {dimension_numbers = #tpu.dot_dimension_numbers<[1], [0], [0], [1], [0, 0, 1, 1], [], []>, transpose_lhs_hint = false} : vector<2000x512xf32>, vector<512x256xf32>, vector<2000x256xf32> -> vector<2000x256xf32>
    %get3A_8 = arith.constant 0 : index
    %get3A_9 = arith.constant 0 : index
    %get3A_10 = vector.load %arg4[%get3A_8, %get3A_9] : memref<1x256xf32, #tpu.memory_space<vmem>>, vector<1x256xf32>
    %add3A = vector.broadcast %get3A_10 : vector<1x256xf32> to vector<2000x256xf32>
    %add3A_11 = arith.addf %dot_general3A_7, %add3A : vector<2000x256xf32>
    %get3A_12 = arith.constant 0 : index
    %get3A_13 = arith.constant 0 : index
    %get3A_14 = vector.load %arg5[%get3A_12, %get3A_13] : memref<1x256xf32, #tpu.memory_space<vmem>>, vector<1x256xf32>
    %get3A_15 = arith.constant 0 : index
    %get3A_16 = arith.constant 0 : index
    %get3A_17 = vector.load %arg6[%get3A_15, %get3A_16] : memref<1x256xf32, #tpu.memory_space<vmem>>, vector<1x256xf32>
    %reduce_sum3A = arith.constant dense<0.000000e+00> : vector<2000xf32>
    %reduce_sum3A_18 = vector.multi_reduction <add>, %add3A_11, %reduce_sum3A [1] : vector<2000x256xf32> to vector<2000xf32>
    %broadcast_in_dim3A = vector.shape_cast %reduce_sum3A_18 : vector<2000xf32> to vector<2000x1xf32>
    %div3A = arith.constant 2.560000e+02 : f32
    %div3A_19 = vector.broadcast %div3A : f32 to vector<2000x1xf32>
    %div3A_20 = arith.divf %broadcast_in_dim3A, %div3A_19 : vector<2000x1xf32>
    %sub3A = vector.broadcast %div3A_20 : vector<2000x1xf32> to vector<2000x256xf32>
    %sub3A_21 = arith.subf %add3A_11, %sub3A : vector<2000x256xf32>
    %integer_pow3A = arith.mulf %sub3A_21, %sub3A_21 : vector<2000x256xf32>
    %reduce_sum3A_22 = arith.constant dense<0.000000e+00> : vector<2000xf32>
    %reduce_sum3A_23 = vector.multi_reduction <add>, %integer_pow3A, %reduce_sum3A_22 [1] : vector<2000x256xf32> to vector<2000xf32>
    %broadcast_in_dim3A_24 = vector.shape_cast %reduce_sum3A_23 : vector<2000xf32> to vector<2000x1xf32>
    %div3A_25 = arith.constant 2.560000e+02 : f32
    %div3A_26 = vector.broadcast %div3A_25 : f32 to vector<2000x1xf32>
    %div3A_27 = arith.divf %broadcast_in_dim3A_24, %div3A_26 : vector<2000x1xf32>
    %sub3A_28 = vector.broadcast %div3A_20 : vector<2000x1xf32> to vector<2000x256xf32>
    %sub3A_29 = arith.subf %add3A_11, %sub3A_28 : vector<2000x256xf32>
    %add3A_30 = arith.constant 9.99999974E-6 : f32
    %add3A_31 = vector.broadcast %add3A_30 : f32 to vector<2000x1xf32>
    %add3A_32 = arith.addf %div3A_27, %add3A_31 : vector<2000x1xf32>
    %sqrt3A = math.sqrt %add3A_32 : vector<2000x1xf32>
    %div3A_33 = vector.broadcast %sqrt3A : vector<2000x1xf32> to vector<2000x256xf32>
    %div3A_34 = arith.divf %sub3A_29, %div3A_33 : vector<2000x256xf32>
    %mul3A = vector.broadcast %get3A_14 : vector<1x256xf32> to vector<2000x256xf32>
    %mul3A_35 = arith.mulf %div3A_34, %mul3A : vector<2000x256xf32>
    %add3A_36 = vector.broadcast %get3A_17 : vector<1x256xf32> to vector<2000x256xf32>
    %add3A_37 = arith.addf %mul3A_35, %add3A_36 : vector<2000x256xf32>
    %max3A = arith.constant 0.000000e+00 : f32
    %max3A_38 = vector.broadcast %max3A : f32 to vector<2000x256xf32>
    %max3A_39 = arith.maximumf %add3A_37, %max3A_38 : vector<2000x256xf32>
    %mul3A_40 = arith.mulf %max3A_39, %max3A_39 : vector<2000x256xf32>
    %reduce_sum3A_41 = arith.constant dense<0.000000e+00> : vector<2000xf32>
    %reduce_sum3A_42 = vector.multi_reduction <add>, %mul3A_40, %reduce_sum3A_41 [1] : vector<2000x256xf32> to vector<2000xf32>
    %broadcast_in_dim3A_43 = vector.shape_cast %reduce_sum3A_42 : vector<2000xf32> to vector<2000x1xf32>
    %sqrt3A_44 = math.sqrt %broadcast_in_dim3A_43 : vector<2000x1xf32>
    %add3A_45 = arith.constant 9.99999996E-13 : f32
    %add3A_46 = vector.broadcast %add3A_45 : f32 to vector<2000x1xf32>
    %add3A_47 = arith.addf %sqrt3A_44, %add3A_46 : vector<2000x1xf32>
    %div3A_48 = vector.broadcast %add3A_47 : vector<2000x1xf32> to vector<2000x256xf32>
    %div3A_49 = arith.divf %max3A_39, %div3A_48 : vector<2000x256xf32>
    %get3A_50 = arith.constant 0 : index
    %get3A_51 = arith.constant 0 : index
    %get3A_52 = vector.load %arg2[%get3A_50, %get3A_51] : memref<1024x256xf32, #tpu.memory_space<vmem>>, vector<1024x256xf32>
    %dot_general3A_53 = arith.constant dense<0.000000e+00> : vector<1024x2000xf32>
    %dot_general3A_54 = tpu.matmul %get3A_52, %div3A_49, %dot_general3A_53 {dimension_numbers = #tpu.dot_dimension_numbers<[1], [1], [0], [0], [0, 0, 1, 0], [], []>, transpose_lhs_hint = false} : vector<1024x256xf32>, vector<2000x256xf32>, vector<1024x2000xf32> -> vector<1024x2000xf32>
    %mul3A_55 = arith.constant 2000 : i32
    %mul3A_56 = arith.muli %arg0, %mul3A_55 : i32
    %iota3A = tpu.iota {dimensions = array<i32: 1>} : vector<1024x2000xi32>
    %add3A_57 = vector.broadcast %mul3A_56 : i32 to vector<1024x2000xi32>
    %add3A_58 = arith.addi %add3A_57, %iota3A : vector<1024x2000xi32>
    %reduce_max3A = arith.constant dense<0xFF800000> : vector<1024xf32>
    %reduce_max3A_59 = vector.multi_reduction <maximumf>, %dot_general3A_54, %reduce_max3A [1] : vector<1024x2000xf32> to vector<1024xf32>
    %broadcast_in_dim3A_60 = vector.shape_cast %reduce_max3A_59 : vector<1024xf32> to vector<1024x1xf32>
    %eq3A_61 = vector.broadcast %broadcast_in_dim3A_60 : vector<1024x1xf32> to vector<1024x2000xf32>
    %eq3A_62 = arith.cmpf oeq, %dot_general3A_54, %eq3A_61 : vector<1024x2000xf32>
    %jit3A = arith.constant 1073741824 : i32
    %broadcast_in_dim3A_63 = vector.broadcast %jit3A : i32 to vector<1024x2000xi32>
    %select_n3A = arith.select %eq3A_62, %add3A_58, %broadcast_in_dim3A_63 : vector<1024x2000xi1>, vector<1024x2000xi32>
    %reduce_min3A = arith.constant dense<2147483647> : vector<1024xi32>
    %reduce_min3A_64 = vector.multi_reduction <minsi>, %select_n3A, %reduce_min3A [1] : vector<1024x2000xi32> to vector<1024xi32>
    %broadcast_in_dim3A_65 = vector.shape_cast %reduce_min3A_64 : vector<1024xi32> to vector<1024x1xi32>
    %eq3A_66 = vector.broadcast %broadcast_in_dim3A_65 : vector<1024x1xi32> to vector<1024x2000xi32>
    %eq3A_67 = arith.cmpi eq, %add3A_58, %eq3A_66 : vector<1024x2000xi32>
    %jit3A_68 = arith.constant 0xFF800000 : f32
    %broadcast_in_dim3A_69 = vector.broadcast %jit3A_68 : f32 to vector<1024x2000xf32>
    %select_n3A_70 = arith.select %eq3A_67, %broadcast_in_dim3A_69, %dot_general3A_54 : vector<1024x2000xi1>, vector<1024x2000xf32>
    %reduce_max3A_71 = arith.constant dense<0xFF800000> : vector<1024xf32>
    %reduce_max3A_72 = vector.multi_reduction <maximumf>, %select_n3A_70, %reduce_max3A_71 [1] : vector<1024x2000xf32> to vector<1024xf32>
    %broadcast_in_dim3A_73 = vector.shape_cast %reduce_max3A_72 : vector<1024xf32> to vector<1024x1xf32>
    %eq3A_74 = vector.broadcast %broadcast_in_dim3A_73 : vector<1024x1xf32> to vector<1024x2000xf32>
    %eq3A_75 = arith.cmpf oeq, %select_n3A_70, %eq3A_74 : vector<1024x2000xf32>
    %jit3A_76 = arith.constant 1073741824 : i32
    %broadcast_in_dim3A_77 = vector.broadcast %jit3A_76 : i32 to vector<1024x2000xi32>
    %select_n3A_78 = arith.select %eq3A_75, %add3A_58, %broadcast_in_dim3A_77 : vector<1024x2000xi1>, vector<1024x2000xi32>
    %reduce_min3A_79 = arith.constant dense<2147483647> : vector<1024xi32>
    %reduce_min3A_80 = vector.multi_reduction <minsi>, %select_n3A_78, %reduce_min3A_79 [1] : vector<1024x2000xi32> to vector<1024xi32>
    %broadcast_in_dim3A_81 = vector.shape_cast %reduce_min3A_80 : vector<1024xi32> to vector<1024x1xi32>
    %eq3A_82 = vector.broadcast %broadcast_in_dim3A_81 : vector<1024x1xi32> to vector<1024x2000xi32>
    %eq3A_83 = arith.cmpi eq, %add3A_58, %eq3A_82 : vector<1024x2000xi32>
    %jit3A_84 = arith.constant 0xFF800000 : f32
    %broadcast_in_dim3A_85 = vector.broadcast %jit3A_84 : f32 to vector<1024x2000xf32>
    %select_n3A_86 = arith.select %eq3A_83, %broadcast_in_dim3A_85, %select_n3A_70 : vector<1024x2000xi1>, vector<1024x2000xf32>
    %reduce_max3A_87 = arith.constant dense<0xFF800000> : vector<1024xf32>
    %reduce_max3A_88 = vector.multi_reduction <maximumf>, %select_n3A_86, %reduce_max3A_87 [1] : vector<1024x2000xf32> to vector<1024xf32>
    %broadcast_in_dim3A_89 = vector.shape_cast %reduce_max3A_88 : vector<1024xf32> to vector<1024x1xf32>
    %eq3A_90 = vector.broadcast %broadcast_in_dim3A_89 : vector<1024x1xf32> to vector<1024x2000xf32>
    %eq3A_91 = arith.cmpf oeq, %select_n3A_86, %eq3A_90 : vector<1024x2000xf32>
    %jit3A_92 = arith.constant 1073741824 : i32
    %broadcast_in_dim3A_93 = vector.broadcast %jit3A_92 : i32 to vector<1024x2000xi32>
    %select_n3A_94 = arith.select %eq3A_91, %add3A_58, %broadcast_in_dim3A_93 : vector<1024x2000xi1>, vector<1024x2000xi32>
    %reduce_min3A_95 = arith.constant dense<2147483647> : vector<1024xi32>
    %reduce_min3A_96 = vector.multi_reduction <minsi>, %select_n3A_94, %reduce_min3A_95 [1] : vector<1024x2000xi32> to vector<1024xi32>
    %broadcast_in_dim3A_97 = vector.shape_cast %reduce_min3A_96 : vector<1024xi32> to vector<1024x1xi32>
    %eq3A_98 = vector.broadcast %broadcast_in_dim3A_97 : vector<1024x1xi32> to vector<1024x2000xi32>
    %eq3A_99 = arith.cmpi eq, %add3A_58, %eq3A_98 : vector<1024x2000xi32>
    %jit3A_100 = arith.constant 0xFF800000 : f32
    %broadcast_in_dim3A_101 = vector.broadcast %jit3A_100 : f32 to vector<1024x2000xf32>
    %select_n3A_102 = arith.select %eq3A_99, %broadcast_in_dim3A_101, %select_n3A_86 : vector<1024x2000xi1>, vector<1024x2000xf32>
    %reduce_max3A_103 = arith.constant dense<0xFF800000> : vector<1024xf32>
    %reduce_max3A_104 = vector.multi_reduction <maximumf>, %select_n3A_102, %reduce_max3A_103 [1] : vector<1024x2000xf32> to vector<1024xf32>
    %broadcast_in_dim3A_105 = vector.shape_cast %reduce_max3A_104 : vector<1024xf32> to vector<1024x1xf32>
    %eq3A_106 = vector.broadcast %broadcast_in_dim3A_105 : vector<1024x1xf32> to vector<1024x2000xf32>
    %eq3A_107 = arith.cmpf oeq, %select_n3A_102, %eq3A_106 : vector<1024x2000xf32>
    %jit3A_108 = arith.constant 1073741824 : i32
    %broadcast_in_dim3A_109 = vector.broadcast %jit3A_108 : i32 to vector<1024x2000xi32>
    %select_n3A_110 = arith.select %eq3A_107, %add3A_58, %broadcast_in_dim3A_109 : vector<1024x2000xi1>, vector<1024x2000xi32>
    %reduce_min3A_111 = arith.constant dense<2147483647> : vector<1024xi32>
    %reduce_min3A_112 = vector.multi_reduction <minsi>, %select_n3A_110, %reduce_min3A_111 [1] : vector<1024x2000xi32> to vector<1024xi32>
    %broadcast_in_dim3A_113 = vector.shape_cast %reduce_min3A_112 : vector<1024xi32> to vector<1024x1xi32>
    %eq3A_114 = vector.broadcast %broadcast_in_dim3A_113 : vector<1024x1xi32> to vector<1024x2000xi32>
    %eq3A_115 = arith.cmpi eq, %add3A_58, %eq3A_114 : vector<1024x2000xi32>
    %jit3A_116 = arith.constant 0xFF800000 : f32
    %broadcast_in_dim3A_117 = vector.broadcast %jit3A_116 : f32 to vector<1024x2000xf32>
    %select_n3A_118 = arith.select %eq3A_115, %broadcast_in_dim3A_117, %select_n3A_102 : vector<1024x2000xi1>, vector<1024x2000xf32>
    %reduce_max3A_119 = arith.constant dense<0xFF800000> : vector<1024xf32>
    %reduce_max3A_120 = vector.multi_reduction <maximumf>, %select_n3A_118, %reduce_max3A_119 [1] : vector<1024x2000xf32> to vector<1024xf32>
    %broadcast_in_dim3A_121 = vector.shape_cast %reduce_max3A_120 : vector<1024xf32> to vector<1024x1xf32>
    %eq3A_122 = vector.broadcast %broadcast_in_dim3A_121 : vector<1024x1xf32> to vector<1024x2000xf32>
    %eq3A_123 = arith.cmpf oeq, %select_n3A_118, %eq3A_122 : vector<1024x2000xf32>
    %jit3A_124 = arith.constant 1073741824 : i32
    %broadcast_in_dim3A_125 = vector.broadcast %jit3A_124 : i32 to vector<1024x2000xi32>
    %select_n3A_126 = arith.select %eq3A_123, %add3A_58, %broadcast_in_dim3A_125 : vector<1024x2000xi1>, vector<1024x2000xi32>
    %reduce_min3A_127 = arith.constant dense<2147483647> : vector<1024xi32>
    %reduce_min3A_128 = vector.multi_reduction <minsi>, %select_n3A_126, %reduce_min3A_127 [1] : vector<1024x2000xi32> to vector<1024xi32>
    %broadcast_in_dim3A_129 = vector.shape_cast %reduce_min3A_128 : vector<1024xi32> to vector<1024x1xi32>
    %broadcast_in_dim3A_130 = arith.constant 0xFF800000 : f32
    %broadcast_in_dim3A_131 = vector.broadcast %broadcast_in_dim3A_130 : f32 to vector<1024x1xf32>
    %broadcast_in_dim3A_132 = arith.constant 1073741824 : i32
    %broadcast_in_dim3A_133 = vector.broadcast %broadcast_in_dim3A_132 : i32 to vector<1024x1xi32>
    %concatenate3A = tpu.concatenate %broadcast_in_dim3A_60, %broadcast_in_dim3A_73, %broadcast_in_dim3A_89, %broadcast_in_dim3A_105, %broadcast_in_dim3A_121, %broadcast_in_dim3A_131, %broadcast_in_dim3A_131, %broadcast_in_dim3A_131 in 1 : vector<1024x1xf32>, vector<1024x1xf32>, vector<1024x1xf32>, vector<1024x1xf32>, vector<1024x1xf32>, vector<1024x1xf32>, vector<1024x1xf32>, vector<1024x1xf32> -> vector<1024x8xf32>
    %concatenate3A_134 = tpu.concatenate %broadcast_in_dim3A_65, %broadcast_in_dim3A_81, %broadcast_in_dim3A_97, %broadcast_in_dim3A_113, %broadcast_in_dim3A_129, %broadcast_in_dim3A_133, %broadcast_in_dim3A_133, %broadcast_in_dim3A_133 in 1 : vector<1024x1xi32>, vector<1024x1xi32>, vector<1024x1xi32>, vector<1024x1xi32>, vector<1024x1xi32>, vector<1024x1xi32>, vector<1024x1xi32>, vector<1024x1xi32> -> vector<1024x8xi32>
    %get3A_135 = arith.constant 0 : index
    %get3A_136 = arith.constant 0 : index
    %get3A_137 = vector.load %arg8[%get3A_135, %get3A_136] : memref<1024x8xf32, #tpu.memory_space<vmem>>, vector<1024x8xf32>
    %concatenate3A_138 = tpu.concatenate %get3A_137, %concatenate3A in 1 : vector<1024x8xf32>, vector<1024x8xf32> -> vector<1024x16xf32>
    %get3A_139 = arith.constant 0 : index
    %get3A_140 = arith.constant 0 : index
    %get3A_141 = vector.load %arg9[%get3A_139, %get3A_140] : memref<1024x8xi32, #tpu.memory_space<vmem>>, vector<1024x8xi32>
    %concatenate3A_142 = tpu.concatenate %get3A_141, %concatenate3A_134 in 1 : vector<1024x8xi32>, vector<1024x8xi32> -> vector<1024x16xi32>
    %reduce_max3A_143 = arith.constant dense<0xFF800000> : vector<1024xf32>
    %reduce_max3A_144 = vector.multi_reduction <maximumf>, %concatenate3A_138, %reduce_max3A_143 [1] : vector<1024x16xf32> to vector<1024xf32>
    %broadcast_in_dim3A_145 = vector.shape_cast %reduce_max3A_144 : vector<1024xf32> to vector<1024x1xf32>
    %eq3A_146 = vector.broadcast %broadcast_in_dim3A_145 : vector<1024x1xf32> to vector<1024x16xf32>
    %eq3A_147 = arith.cmpf oeq, %concatenate3A_138, %eq3A_146 : vector<1024x16xf32>
    %jit3A_148 = arith.constant 1073741824 : i32
    %broadcast_in_dim3A_149 = vector.broadcast %jit3A_148 : i32 to vector<1024x16xi32>
    %select_n3A_150 = arith.select %eq3A_147, %concatenate3A_142, %broadcast_in_dim3A_149 : vector<1024x16xi1>, vector<1024x16xi32>
    %reduce_min3A_151 = arith.constant dense<2147483647> : vector<1024xi32>
    %reduce_min3A_152 = vector.multi_reduction <minsi>, %select_n3A_150, %reduce_min3A_151 [1] : vector<1024x16xi32> to vector<1024xi32>
    %broadcast_in_dim3A_153 = vector.shape_cast %reduce_min3A_152 : vector<1024xi32> to vector<1024x1xi32>
    %eq3A_154 = vector.broadcast %broadcast_in_dim3A_153 : vector<1024x1xi32> to vector<1024x16xi32>
    %eq3A_155 = arith.cmpi eq, %concatenate3A_142, %eq3A_154 : vector<1024x16xi32>
    %jit3A_156 = arith.constant 0xFF800000 : f32
    %broadcast_in_dim3A_157 = vector.broadcast %jit3A_156 : f32 to vector<1024x16xf32>
    %select_n3A_158 = arith.select %eq3A_155, %broadcast_in_dim3A_157, %concatenate3A_138 : vector<1024x16xi1>, vector<1024x16xf32>
    %reduce_max3A_159 = arith.constant dense<0xFF800000> : vector<1024xf32>
    %reduce_max3A_160 = vector.multi_reduction <maximumf>, %select_n3A_158, %reduce_max3A_159 [1] : vector<1024x16xf32> to vector<1024xf32>
    %broadcast_in_dim3A_161 = vector.shape_cast %reduce_max3A_160 : vector<1024xf32> to vector<1024x1xf32>
    %eq3A_162 = vector.broadcast %broadcast_in_dim3A_161 : vector<1024x1xf32> to vector<1024x16xf32>
    %eq3A_163 = arith.cmpf oeq, %select_n3A_158, %eq3A_162 : vector<1024x16xf32>
    %jit3A_164 = arith.constant 1073741824 : i32
    %broadcast_in_dim3A_165 = vector.broadcast %jit3A_164 : i32 to vector<1024x16xi32>
    %select_n3A_166 = arith.select %eq3A_163, %concatenate3A_142, %broadcast_in_dim3A_165 : vector<1024x16xi1>, vector<1024x16xi32>
    %reduce_min3A_167 = arith.constant dense<2147483647> : vector<1024xi32>
    %reduce_min3A_168 = vector.multi_reduction <minsi>, %select_n3A_166, %reduce_min3A_167 [1] : vector<1024x16xi32> to vector<1024xi32>
    %broadcast_in_dim3A_169 = vector.shape_cast %reduce_min3A_168 : vector<1024xi32> to vector<1024x1xi32>
    %eq3A_170 = vector.broadcast %broadcast_in_dim3A_169 : vector<1024x1xi32> to vector<1024x16xi32>
    %eq3A_171 = arith.cmpi eq, %concatenate3A_142, %eq3A_170 : vector<1024x16xi32>
    %jit3A_172 = arith.constant 0xFF800000 : f32
    %broadcast_in_dim3A_173 = vector.broadcast %jit3A_172 : f32 to vector<1024x16xf32>
    %select_n3A_174 = arith.select %eq3A_171, %broadcast_in_dim3A_173, %select_n3A_158 : vector<1024x16xi1>, vector<1024x16xf32>
    %reduce_max3A_175 = arith.constant dense<0xFF800000> : vector<1024xf32>
    %reduce_max3A_176 = vector.multi_reduction <maximumf>, %select_n3A_174, %reduce_max3A_175 [1] : vector<1024x16xf32> to vector<1024xf32>
    %broadcast_in_dim3A_177 = vector.shape_cast %reduce_max3A_176 : vector<1024xf32> to vector<1024x1xf32>
    %eq3A_178 = vector.broadcast %broadcast_in_dim3A_177 : vector<1024x1xf32> to vector<1024x16xf32>
    %eq3A_179 = arith.cmpf oeq, %select_n3A_174, %eq3A_178 : vector<1024x16xf32>
    %jit3A_180 = arith.constant 1073741824 : i32
    %broadcast_in_dim3A_181 = vector.broadcast %jit3A_180 : i32 to vector<1024x16xi32>
    %select_n3A_182 = arith.select %eq3A_179, %concatenate3A_142, %broadcast_in_dim3A_181 : vector<1024x16xi1>, vector<1024x16xi32>
    %reduce_min3A_183 = arith.constant dense<2147483647> : vector<1024xi32>
    %reduce_min3A_184 = vector.multi_reduction <minsi>, %select_n3A_182, %reduce_min3A_183 [1] : vector<1024x16xi32> to vector<1024xi32>
    %broadcast_in_dim3A_185 = vector.shape_cast %reduce_min3A_184 : vector<1024xi32> to vector<1024x1xi32>
    %eq3A_186 = vector.broadcast %broadcast_in_dim3A_185 : vector<1024x1xi32> to vector<1024x16xi32>
    %eq3A_187 = arith.cmpi eq, %concatenate3A_142, %eq3A_186 : vector<1024x16xi32>
    %jit3A_188 = arith.constant 0xFF800000 : f32
    %broadcast_in_dim3A_189 = vector.broadcast %jit3A_188 : f32 to vector<1024x16xf32>
    %select_n3A_190 = arith.select %eq3A_187, %broadcast_in_dim3A_189, %select_n3A_174 : vector<1024x16xi1>, vector<1024x16xf32>
    %reduce_max3A_191 = arith.constant dense<0xFF800000> : vector<1024xf32>
    %reduce_max3A_192 = vector.multi_reduction <maximumf>, %select_n3A_190, %reduce_max3A_191 [1] : vector<1024x16xf32> to vector<1024xf32>
    %broadcast_in_dim3A_193 = vector.shape_cast %reduce_max3A_192 : vector<1024xf32> to vector<1024x1xf32>
    %eq3A_194 = vector.broadcast %broadcast_in_dim3A_193 : vector<1024x1xf32> to vector<1024x16xf32>
    %eq3A_195 = arith.cmpf oeq, %select_n3A_190, %eq3A_194 : vector<1024x16xf32>
    %jit3A_196 = arith.constant 1073741824 : i32
    %broadcast_in_dim3A_197 = vector.broadcast %jit3A_196 : i32 to vector<1024x16xi32>
    %select_n3A_198 = arith.select %eq3A_195, %concatenate3A_142, %broadcast_in_dim3A_197 : vector<1024x16xi1>, vector<1024x16xi32>
    %reduce_min3A_199 = arith.constant dense<2147483647> : vector<1024xi32>
    %reduce_min3A_200 = vector.multi_reduction <minsi>, %select_n3A_198, %reduce_min3A_199 [1] : vector<1024x16xi32> to vector<1024xi32>
    %broadcast_in_dim3A_201 = vector.shape_cast %reduce_min3A_200 : vector<1024xi32> to vector<1024x1xi32>
    %eq3A_202 = vector.broadcast %broadcast_in_dim3A_201 : vector<1024x1xi32> to vector<1024x16xi32>
    %eq3A_203 = arith.cmpi eq, %concatenate3A_142, %eq3A_202 : vector<1024x16xi32>
    %jit3A_204 = arith.constant 0xFF800000 : f32
    %broadcast_in_dim3A_205 = vector.broadcast %jit3A_204 : f32 to vector<1024x16xf32>
    %select_n3A_206 = arith.select %eq3A_203, %broadcast_in_dim3A_205, %select_n3A_190 : vector<1024x16xi1>, vector<1024x16xf32>
    %reduce_max3A_207 = arith.constant dense<0xFF800000> : vector<1024xf32>
    %reduce_max3A_208 = vector.multi_reduction <maximumf>, %select_n3A_206, %reduce_max3A_207 [1] : vector<1024x16xf32> to vector<1024xf32>
    %broadcast_in_dim3A_209 = vector.shape_cast %reduce_max3A_208 : vector<1024xf32> to vector<1024x1xf32>
    %eq3A_210 = vector.broadcast %broadcast_in_dim3A_209 : vector<1024x1xf32> to vector<1024x16xf32>
    %eq3A_211 = arith.cmpf oeq, %select_n3A_206, %eq3A_210 : vector<1024x16xf32>
    %jit3A_212 = arith.constant 1073741824 : i32
    %broadcast_in_dim3A_213 = vector.broadcast %jit3A_212 : i32 to vector<1024x16xi32>
    %select_n3A_214 = arith.select %eq3A_211, %concatenate3A_142, %broadcast_in_dim3A_213 : vector<1024x16xi1>, vector<1024x16xi32>
    %reduce_min3A_215 = arith.constant dense<2147483647> : vector<1024xi32>
    %reduce_min3A_216 = vector.multi_reduction <minsi>, %select_n3A_214, %reduce_min3A_215 [1] : vector<1024x16xi32> to vector<1024xi32>
    %broadcast_in_dim3A_217 = vector.shape_cast %reduce_min3A_216 : vector<1024xi32> to vector<1024x1xi32>
    %broadcast_in_dim3A_218 = arith.constant 0xFF800000 : f32
    %broadcast_in_dim3A_219 = vector.broadcast %broadcast_in_dim3A_218 : f32 to vector<1024x1xf32>
    %broadcast_in_dim3A_220 = arith.constant 1073741824 : i32
    %broadcast_in_dim3A_221 = vector.broadcast %broadcast_in_dim3A_220 : i32 to vector<1024x1xi32>
    %concatenate3A_222 = tpu.concatenate %broadcast_in_dim3A_145, %broadcast_in_dim3A_161, %broadcast_in_dim3A_177, %broadcast_in_dim3A_193, %broadcast_in_dim3A_209, %broadcast_in_dim3A_219, %broadcast_in_dim3A_219, %broadcast_in_dim3A_219 in 1 : vector<1024x1xf32>, vector<1024x1xf32>, vector<1024x1xf32>, vector<1024x1xf32>, vector<1024x1xf32>, vector<1024x1xf32>, vector<1024x1xf32>, vector<1024x1xf32> -> vector<1024x8xf32>
    %concatenate3A_223 = tpu.concatenate %broadcast_in_dim3A_153, %broadcast_in_dim3A_169, %broadcast_in_dim3A_185, %broadcast_in_dim3A_201, %broadcast_in_dim3A_217, %broadcast_in_dim3A_221, %broadcast_in_dim3A_221, %broadcast_in_dim3A_221 in 1 : vector<1024x1xi32>, vector<1024x1xi32>, vector<1024x1xi32>, vector<1024x1xi32>, vector<1024x1xi32>, vector<1024x1xi32>, vector<1024x1xi32>, vector<1024x1xi32> -> vector<1024x8xi32>
    %swap3A = arith.constant 0 : index
    %swap3A_224 = arith.constant 0 : index
    %swap3A_225 = vector.load %arg8[%swap3A, %swap3A_224] : memref<1024x8xf32, #tpu.memory_space<vmem>>, vector<1024x8xf32>
    tpu.vector_store %arg8[%swap3A, %swap3A_224], %concatenate3A_222 {strides = array<i32>} : memref<1024x8xf32, #tpu.memory_space<vmem>>, vector<1024x8xf32>,
    %swap3A_226 = arith.constant 0 : index
    %swap3A_227 = arith.constant 0 : index
    %swap3A_228 = vector.load %arg9[%swap3A_226, %swap3A_227] : memref<1024x8xi32, #tpu.memory_space<vmem>>, vector<1024x8xi32>
    tpu.vector_store %arg9[%swap3A_226, %swap3A_227], %concatenate3A_223 {strides = array<i32>} : memref<1024x8xi32, #tpu.memory_space<vmem>>, vector<1024x8xi32>,
    %swap3A_229 = arith.constant 0 : index
    %swap3A_230 = arith.constant 0 : index
    %swap3A_231 = vector.load %arg7[%swap3A_229, %swap3A_230] : memref<1024x8xi32, #tpu.memory_space<vmem>>, vector<1024x8xi32>
    tpu.vector_store %arg7[%swap3A_229, %swap3A_230], %concatenate3A_223 {strides = array<i32>} : memref<1024x8xi32, #tpu.memory_space<vmem>>, vector<1024x8xi32>,
    return
  }
  func.func @transform_0(%arg0: i32) -> (i32, i32) {
    %c0_i32 = arith.constant 0 : i32
    %c0_i32_0 = arith.constant 0 : i32
    return %arg0, %c0_i32 : i32, i32
  }
  func.func @transform_1(%arg0: i32) -> (i32, i32) {
    %c0_i32 = arith.constant 0 : i32
    %c0_i32_0 = arith.constant 0 : i32
    %c0_i32_1 = arith.constant 0 : i32
    return %c0_i32, %c0_i32_0 : i32, i32
  }
  func.func @transform_2(%arg0: i32) -> (i32, i32) {
    %c0_i32 = arith.constant 0 : i32
    %c0_i32_0 = arith.constant 0 : i32
    %c0_i32_1 = arith.constant 0 : i32
    return %c0_i32, %c0_i32_0 : i32, i32
  }
  func.func @transform_3(%arg0: i32) -> (i32, i32) {
    %c0_i32 = arith.constant 0 : i32
    %c0_i32_0 = arith.constant 0 : i32
    %c0_i32_1 = arith.constant 0 : i32
    return %c0_i32, %c0_i32_0 : i32, i32
  }
  func.func @transform_4(%arg0: i32) -> (i32, i32) {
    %c0_i32 = arith.constant 0 : i32
    %c0_i32_0 = arith.constant 0 : i32
    %c0_i32_1 = arith.constant 0 : i32
    return %c0_i32, %c0_i32_0 : i32, i32
  }
  func.func @transform_5(%arg0: i32) -> (i32, i32) {
    %c0_i32 = arith.constant 0 : i32
    %c0_i32_0 = arith.constant 0 : i32
    %c0_i32_1 = arith.constant 0 : i32
    return %c0_i32, %c0_i32_0 : i32, i32
  }
  func.func @transform_6(%arg0: i32) -> (i32, i32) {
    %c0_i32 = arith.constant 0 : i32
    %c0_i32_0 = arith.constant 0 : i32
    %c0_i32_1 = arith.constant 0 : i32
    return %c0_i32, %c0_i32_0 : i32, i32
  }
}

module attributes {stable_mosaic.version = 14 : i64} {
  func.func @_qproj_body(%arg0: memref<1024x512xf32, #tpu.memory_space<vmem>>, %arg1: memref<512x256xf32, #tpu.memory_space<vmem>>, %arg2: memref<1x256xf32, #tpu.memory_space<vmem>>, %arg3: memref<1x256xf32, #tpu.memory_space<vmem>>, %arg4: memref<1x256xf32, #tpu.memory_space<vmem>>, %arg5: memref<7x256xf32, #tpu.memory_space<vmem>>, %arg6: memref<1024x256xf32, #tpu.memory_space<vmem>>, %arg7: memref<1024x256xf32, #tpu.memory_space<vmem>>, %arg8: memref<1024x256xf32, #tpu.memory_space<vmem>>) attributes {dimension_semantics = [], scalar_prefetch = 0 : i64, scratch_operands = 0 : i64, tpu.core_type = #tpu.core_type<tc>} {
    %get3A = arith.constant 0 : index
    %get3A_0 = arith.constant 0 : index
    %get3A_1 = vector.load %arg0[%get3A, %get3A_0] : memref<1024x512xf32, #tpu.memory_space<vmem>>, vector<1024x512xf32>
    %get3A_2 = arith.constant 0 : index
    %get3A_3 = arith.constant 0 : index
    %get3A_4 = vector.load %arg1[%get3A_2, %get3A_3] : memref<512x256xf32, #tpu.memory_space<vmem>>, vector<512x256xf32>
    %dot_general3A = arith.constant dense<0.000000e+00> : vector<1024x256xf32>
    %dot_general3A_5 = tpu.matmul %get3A_1, %get3A_4, %dot_general3A {dimension_numbers = #tpu.dot_dimension_numbers<[1], [0], [0], [1], [0, 0, 1, 1], [], []>, transpose_lhs_hint = false} : vector<1024x512xf32>, vector<512x256xf32>, vector<1024x256xf32> -> vector<1024x256xf32>
    %get3A_6 = arith.constant 0 : index
    %get3A_7 = arith.constant 0 : index
    %get3A_8 = vector.load %arg2[%get3A_6, %get3A_7] : memref<1x256xf32, #tpu.memory_space<vmem>>, vector<1x256xf32>
    %add3A = vector.broadcast %get3A_8 : vector<1x256xf32> to vector<1024x256xf32>
    %add3A_9 = arith.addf %dot_general3A_5, %add3A : vector<1024x256xf32>
    %get3A_10 = arith.constant 0 : index
    %get3A_11 = arith.constant 0 : index
    %get3A_12 = vector.load %arg3[%get3A_10, %get3A_11] : memref<1x256xf32, #tpu.memory_space<vmem>>, vector<1x256xf32>
    %get3A_13 = arith.constant 0 : index
    %get3A_14 = arith.constant 0 : index
    %get3A_15 = vector.load %arg4[%get3A_13, %get3A_14] : memref<1x256xf32, #tpu.memory_space<vmem>>, vector<1x256xf32>
    %reduce_sum3A = arith.constant dense<0.000000e+00> : vector<1024xf32>
    %reduce_sum3A_16 = vector.multi_reduction <add>, %add3A_9, %reduce_sum3A [1] : vector<1024x256xf32> to vector<1024xf32>
    %broadcast_in_dim3A = vector.shape_cast %reduce_sum3A_16 : vector<1024xf32> to vector<1024x1xf32>
    %div3A = arith.constant 2.560000e+02 : f32
    %div3A_17 = vector.broadcast %div3A : f32 to vector<1024x1xf32>
    %div3A_18 = arith.divf %broadcast_in_dim3A, %div3A_17 : vector<1024x1xf32>
    %sub3A = vector.broadcast %div3A_18 : vector<1024x1xf32> to vector<1024x256xf32>
    %sub3A_19 = arith.subf %add3A_9, %sub3A : vector<1024x256xf32>
    %integer_pow3A = arith.mulf %sub3A_19, %sub3A_19 : vector<1024x256xf32>
    %reduce_sum3A_20 = arith.constant dense<0.000000e+00> : vector<1024xf32>
    %reduce_sum3A_21 = vector.multi_reduction <add>, %integer_pow3A, %reduce_sum3A_20 [1] : vector<1024x256xf32> to vector<1024xf32>
    %broadcast_in_dim3A_22 = vector.shape_cast %reduce_sum3A_21 : vector<1024xf32> to vector<1024x1xf32>
    %div3A_23 = arith.constant 2.560000e+02 : f32
    %div3A_24 = vector.broadcast %div3A_23 : f32 to vector<1024x1xf32>
    %div3A_25 = arith.divf %broadcast_in_dim3A_22, %div3A_24 : vector<1024x1xf32>
    %sub3A_26 = vector.broadcast %div3A_18 : vector<1024x1xf32> to vector<1024x256xf32>
    %sub3A_27 = arith.subf %add3A_9, %sub3A_26 : vector<1024x256xf32>
    %add3A_28 = arith.constant 9.99999974E-6 : f32
    %add3A_29 = vector.broadcast %add3A_28 : f32 to vector<1024x1xf32>
    %add3A_30 = arith.addf %div3A_25, %add3A_29 : vector<1024x1xf32>
    %sqrt3A = math.sqrt %add3A_30 : vector<1024x1xf32>
    %div3A_31 = vector.broadcast %sqrt3A : vector<1024x1xf32> to vector<1024x256xf32>
    %div3A_32 = arith.divf %sub3A_27, %div3A_31 : vector<1024x256xf32>
    %mul3A = vector.broadcast %get3A_12 : vector<1x256xf32> to vector<1024x256xf32>
    %mul3A_33 = arith.mulf %div3A_32, %mul3A : vector<1024x256xf32>
    %add3A_34 = vector.broadcast %get3A_15 : vector<1x256xf32> to vector<1024x256xf32>
    %add3A_35 = arith.addf %mul3A_33, %add3A_34 : vector<1024x256xf32>
    %max3A = arith.constant 0.000000e+00 : f32
    %max3A_36 = vector.broadcast %max3A : f32 to vector<1024x256xf32>
    %max3A_37 = arith.maximumf %add3A_35, %max3A_36 : vector<1024x256xf32>
    %swap3A = arith.constant 0 : index
    %swap3A_38 = arith.constant 0 : index
    %swap3A_39 = vector.load %arg6[%swap3A, %swap3A_38] : memref<1024x256xf32, #tpu.memory_space<vmem>>, vector<1024x256xf32>
    tpu.vector_store %arg6[%swap3A, %swap3A_38], %max3A_37 {strides = array<i32>} : memref<1024x256xf32, #tpu.memory_space<vmem>>, vector<1024x256xf32>,
    %mul3A_40 = arith.mulf %max3A_37, %max3A_37 : vector<1024x256xf32>
    %reduce_sum3A_41 = arith.constant dense<0.000000e+00> : vector<1024xf32>
    %reduce_sum3A_42 = vector.multi_reduction <add>, %mul3A_40, %reduce_sum3A_41 [1] : vector<1024x256xf32> to vector<1024xf32>
    %broadcast_in_dim3A_43 = vector.shape_cast %reduce_sum3A_42 : vector<1024xf32> to vector<1024x1xf32>
    %sqrt3A_44 = math.sqrt %broadcast_in_dim3A_43 : vector<1024x1xf32>
    %add3A_45 = arith.constant 9.99999996E-13 : f32
    %add3A_46 = vector.broadcast %add3A_45 : f32 to vector<1024x1xf32>
    %add3A_47 = arith.addf %sqrt3A_44, %add3A_46 : vector<1024x1xf32>
    %div3A_48 = vector.broadcast %add3A_47 : vector<1024x1xf32> to vector<1024x256xf32>
    %div3A_49 = arith.divf %max3A_37, %div3A_48 : vector<1024x256xf32>
    %swap3A_50 = arith.constant 0 : index
    %swap3A_51 = arith.constant 0 : index
    %swap3A_52 = vector.load %arg7[%swap3A_50, %swap3A_51] : memref<1024x256xf32, #tpu.memory_space<vmem>>, vector<1024x256xf32>
    tpu.vector_store %arg7[%swap3A_50, %swap3A_51], %div3A_49 {strides = array<i32>} : memref<1024x256xf32, #tpu.memory_space<vmem>>, vector<1024x256xf32>,
    %get3A_53 = arith.constant 0 : index
    %get3A_54 = arith.constant 0 : index
    %get3A_55 = vector.load %arg5[%get3A_53, %get3A_54] : memref<7x256xf32, #tpu.memory_space<vmem>>, vector<7x256xf32>
    %mul3A_56 = arith.mulf %get3A_55, %get3A_55 : vector<7x256xf32>
    %reduce_sum3A_57 = arith.constant dense<0.000000e+00> : vector<7xf32>
    %reduce_sum3A_58 = vector.multi_reduction <add>, %mul3A_56, %reduce_sum3A_57 [1] : vector<7x256xf32> to vector<7xf32>
    %broadcast_in_dim3A_59 = vector.shape_cast %reduce_sum3A_58 : vector<7xf32> to vector<7x1xf32>
    %sqrt3A_60 = math.sqrt %broadcast_in_dim3A_59 : vector<7x1xf32>
    %add3A_61 = arith.constant 9.99999996E-13 : f32
    %add3A_62 = vector.broadcast %add3A_61 : f32 to vector<7x1xf32>
    %add3A_63 = arith.addf %sqrt3A_60, %add3A_62 : vector<7x1xf32>
    %div3A_64 = vector.broadcast %add3A_63 : vector<7x1xf32> to vector<7x256xf32>
    %div3A_65 = arith.divf %get3A_55, %div3A_64 : vector<7x256xf32>
    %dot_general3A_66 = arith.constant dense<0.000000e+00> : vector<1024x7xf32>
    %dot_general3A_67 = tpu.matmul %div3A_49, %div3A_65, %dot_general3A_66 {dimension_numbers = #tpu.dot_dimension_numbers<[1], [1], [0], [0], [0, 0, 1, 0], [], []>, transpose_lhs_hint = false} : vector<1024x256xf32>, vector<7x256xf32>, vector<1024x7xf32> -> vector<1024x7xf32>
    %reduce_max3A = arith.constant dense<0xFF800000> : vector<1024xf32>
    %reduce_max3A_68 = vector.multi_reduction <maximumf>, %dot_general3A_67, %reduce_max3A [1] : vector<1024x7xf32> to vector<1024xf32>
    %broadcast_in_dim3A_69 = vector.shape_cast %reduce_max3A_68 : vector<1024xf32> to vector<1024x1xf32>
    %iota3A = tpu.iota {dimensions = array<i32: 1>} : vector<1024x7xi32>
    %eq3A = vector.broadcast %broadcast_in_dim3A_69 : vector<1024x1xf32> to vector<1024x7xf32>
    %eq3A_70 = arith.cmpf oeq, %dot_general3A_67, %eq3A : vector<1024x7xf32>
    %jit3A = arith.constant 1073741824 : i32
    %broadcast_in_dim3A_71 = vector.broadcast %jit3A : i32 to vector<1024x7xi32>
    %select_n3A = arith.select %eq3A_70, %iota3A, %broadcast_in_dim3A_71 : vector<1024x7xi1>, vector<1024x7xi32>
    %reduce_min3A = arith.constant dense<2147483647> : vector<1024xi32>
    %reduce_min3A_72 = vector.multi_reduction <minsi>, %select_n3A, %reduce_min3A [1] : vector<1024x7xi32> to vector<1024xi32>
    %broadcast_in_dim3A_73 = vector.shape_cast %reduce_min3A_72 : vector<1024xi32> to vector<1024x1xi32>
    %eq3A_74 = vector.broadcast %broadcast_in_dim3A_73 : vector<1024x1xi32> to vector<1024x7xi32>
    %eq3A_75 = arith.cmpi eq, %iota3A, %eq3A_74 : vector<1024x7xi32>
    %convert_element_type3A = arith.extui %eq3A_75 : vector<1024x7xi1> to vector<1024x7xi32>
    %convert_element_type3A_76 = arith.sitofp %convert_element_type3A : vector<1024x7xi32> to vector<1024x7xf32>
    %dot_general3A_77 = arith.constant dense<0.000000e+00> : vector<1024x256xf32>
    %dot_general3A_78 = tpu.matmul %convert_element_type3A_76, %get3A_55, %dot_general3A_77 {dimension_numbers = #tpu.dot_dimension_numbers<[1], [0], [0], [1], [0, 0, 1, 1], [], []>, transpose_lhs_hint = false} : vector<1024x7xf32>, vector<7x256xf32>, vector<1024x256xf32> -> vector<1024x256xf32>
    %swap3A_79 = arith.constant 0 : index
    %swap3A_80 = arith.constant 0 : index
    %swap3A_81 = vector.load %arg8[%swap3A_79, %swap3A_80] : memref<1024x256xf32, #tpu.memory_space<vmem>>, vector<1024x256xf32>
    tpu.vector_store %arg8[%swap3A_79, %swap3A_80], %dot_general3A_78 {strides = array<i32>} : memref<1024x256xf32, #tpu.memory_space<vmem>>, vector<1024x256xf32>,
    return
  }
}

module attributes {stable_mosaic.version = 14 : i64} {
  func.func @_attn_body(%arg0: memref<1024x256xf32, #tpu.memory_space<vmem>>, %arg1: memref<1024x256xf32, #tpu.memory_space<vmem>>, %arg2: memref<1024x512xf32, #tpu.memory_space<vmem>>, %arg3: memref<1024x512xf32, #tpu.memory_space<vmem>>, %arg4: memref<1024x512xf32, #tpu.memory_space<vmem>>, %arg5: memref<1024x512xf32, #tpu.memory_space<vmem>>, %arg6: memref<1024x512xf32, #tpu.memory_space<vmem>>, %arg7: memref<1024x256xf32, #tpu.memory_space<vmem>>, %arg8: memref<1024x256xf32, #tpu.memory_space<vmem>>, %arg9: memref<1024x256xf32, #tpu.memory_space<vmem>>, %arg10: memref<1024x256xf32, #tpu.memory_space<vmem>>, %arg11: memref<1024x256xf32, #tpu.memory_space<vmem>>, %arg12: memref<512x256xf32, #tpu.memory_space<vmem>>, %arg13: memref<1x256xf32, #tpu.memory_space<vmem>>, %arg14: memref<1x256xf32, #tpu.memory_space<vmem>>, %arg15: memref<1x256xf32, #tpu.memory_space<vmem>>, %arg16: memref<256x256xf32, #tpu.memory_space<vmem>>, %arg17: memref<1x256xf32, #tpu.memory_space<vmem>>, %arg18: memref<1x256xf32, #tpu.memory_space<vmem>>, %arg19: memref<1x256xf32, #tpu.memory_space<vmem>>, %arg20: memref<256x256xf32, #tpu.memory_space<vmem>>, %arg21: memref<1x256xf32, #tpu.memory_space<vmem>>, %arg22: memref<256x256xf32, #tpu.memory_space<vmem>>, %arg23: memref<1x256xf32, #tpu.memory_space<vmem>>, %arg24: memref<256x256xf32, #tpu.memory_space<vmem>>, %arg25: memref<1x256xf32, #tpu.memory_space<vmem>>, %arg26: memref<256x256xf32, #tpu.memory_space<vmem>>, %arg27: memref<1x256xf32, #tpu.memory_space<vmem>>, %arg28: memref<1x256xf32, #tpu.memory_space<vmem>>, %arg29: memref<1x256xf32, #tpu.memory_space<vmem>>, %arg30: memref<256x1024xf32, #tpu.memory_space<vmem>>, %arg31: memref<1x1024xf32, #tpu.memory_space<vmem>>, %arg32: memref<1024x256xf32, #tpu.memory_space<vmem>>, %arg33: memref<1x256xf32, #tpu.memory_space<vmem>>, %arg34: memref<1x256xf32, #tpu.memory_space<vmem>>, %arg35: memref<1x256xf32, #tpu.memory_space<vmem>>, %arg36: memref<1024x256xf32, #tpu.memory_space<vmem>>) attributes {dimension_semantics = [], scalar_prefetch = 0 : i64, scratch_operands = 0 : i64, tpu.core_type = #tpu.core_type<tc>} {
    %get3A = arith.constant 0 : index
    %get3A_0 = arith.constant 0 : index
    %get3A_1 = vector.load %arg0[%get3A, %get3A_0] : memref<1024x256xf32, #tpu.memory_space<vmem>>, vector<1024x256xf32>
    %get3A_2 = arith.constant 0 : index
    %get3A_3 = arith.constant 0 : index
    %get3A_4 = vector.load %arg1[%get3A_2, %get3A_3] : memref<1024x256xf32, #tpu.memory_space<vmem>>, vector<1024x256xf32>
    %iota3A = tpu.iota {dimensions = array<i32: 1>} : vector<1024x256xi32>
    %jit3A = arith.constant 64 : i32
    %div3A = vector.broadcast %jit3A : i32 to vector<1024x256xi32>
    %div3A_5 = arith.divsi %iota3A, %div3A : vector<1024x256xi32>
    %sign3A = arith.constant 0 : i32
    %sign3A_6 = vector.broadcast %sign3A : i32 to vector<1024x256xi32>
    %sign3A_7 = arith.cmpi sgt, %iota3A, %sign3A_6 : vector<1024x256xi32>
    %sign3A_8 = arith.extui %sign3A_7 : vector<1024x256xi1> to vector<1024x256xi32>
    %sign3A_9 = arith.constant 0 : i32
    %sign3A_10 = vector.broadcast %sign3A_9 : i32 to vector<1024x256xi32>
    %sign3A_11 = arith.cmpi slt, %iota3A, %sign3A_10 : vector<1024x256xi32>
    %sign3A_12 = arith.extui %sign3A_11 : vector<1024x256xi1> to vector<1024x256xi32>
    %sign3A_13 = arith.subi %sign3A_8, %sign3A_12 : vector<1024x256xi32>
    %sign3A_14 = arith.constant 0 : i32
    %sign3A_15 = arith.cmpi sgt, %jit3A, %sign3A_14 : i32
    %sign3A_16 = arith.extui %sign3A_15 : i1 to i32
    %sign3A_17 = arith.constant 0 : i32
    %sign3A_18 = arith.cmpi slt, %jit3A, %sign3A_17 : i32
    %sign3A_19 = arith.extui %sign3A_18 : i1 to i32
    %sign3A_20 = arith.subi %sign3A_16, %sign3A_19 : i32
    %ne3A = vector.broadcast %sign3A_20 : i32 to vector<1024x256xi32>
    %ne3A_21 = arith.cmpi ne, %sign3A_13, %ne3A : vector<1024x256xi32>
    %rem3A = vector.broadcast %jit3A : i32 to vector<1024x256xi32>
    %rem3A_22 = arith.remsi %iota3A, %rem3A : vector<1024x256xi32>
    %ne3A_23 = arith.constant 0 : i32
    %ne3A_24 = vector.broadcast %ne3A_23 : i32 to vector<1024x256xi32>
    %ne3A_25 = arith.cmpi ne, %rem3A_22, %ne3A_24 : vector<1024x256xi32>
    %and3A = arith.andi %ne3A_21, %ne3A_25 : vector<1024x256xi1>
    %sub3A = arith.constant 1 : i32
    %sub3A_26 = vector.broadcast %sub3A : i32 to vector<1024x256xi32>
    %sub3A_27 = arith.subi %div3A_5, %sub3A_26 : vector<1024x256xi32>
    %select_n3A = arith.select %and3A, %sub3A_27, %div3A_5 : vector<1024x256xi1>, vector<1024x256xi32>
    %eq3A = arith.constant 0 : i32
    %eq3A_28 = vector.broadcast %eq3A : i32 to vector<1024x256xi32>
    %eq3A_29 = arith.cmpi eq, %select_n3A, %eq3A_28 : vector<1024x256xi32>
    %convert_element_type3A = arith.extui %eq3A_29 : vector<1024x256xi1> to vector<1024x256xi32>
    %convert_element_type3A_30 = arith.sitofp %convert_element_type3A : vector<1024x256xi32> to vector<1024x256xf32>
    %jit3A_31 = arith.constant 64 : i32
    %div3A_32 = vector.broadcast %jit3A_31 : i32 to vector<1024x256xi32>
    %div3A_33 = arith.divsi %iota3A, %div3A_32 : vector<1024x256xi32>
    %sign3A_34 = arith.constant 0 : i32
    %sign3A_35 = vector.broadcast %sign3A_34 : i32 to vector<1024x256xi32>
    %sign3A_36 = arith.cmpi sgt, %iota3A, %sign3A_35 : vector<1024x256xi32>
    %sign3A_37 = arith.extui %sign3A_36 : vector<1024x256xi1> to vector<1024x256xi32>
    %sign3A_38 = arith.constant 0 : i32
    %sign3A_39 = vector.broadcast %sign3A_38 : i32 to vector<1024x256xi32>
    %sign3A_40 = arith.cmpi slt, %iota3A, %sign3A_39 : vector<1024x256xi32>
    %sign3A_41 = arith.extui %sign3A_40 : vector<1024x256xi1> to vector<1024x256xi32>
    %sign3A_42 = arith.subi %sign3A_37, %sign3A_41 : vector<1024x256xi32>
    %sign3A_43 = arith.constant 0 : i32
    %sign3A_44 = arith.cmpi sgt, %jit3A_31, %sign3A_43 : i32
    %sign3A_45 = arith.extui %sign3A_44 : i1 to i32
    %sign3A_46 = arith.constant 0 : i32
    %sign3A_47 = arith.cmpi slt, %jit3A_31, %sign3A_46 : i32
    %sign3A_48 = arith.extui %sign3A_47 : i1 to i32
    %sign3A_49 = arith.subi %sign3A_45, %sign3A_48 : i32
    %ne3A_50 = vector.broadcast %sign3A_49 : i32 to vector<1024x256xi32>
    %ne3A_51 = arith.cmpi ne, %sign3A_42, %ne3A_50 : vector<1024x256xi32>
    %rem3A_52 = vector.broadcast %jit3A_31 : i32 to vector<1024x256xi32>
    %rem3A_53 = arith.remsi %iota3A, %rem3A_52 : vector<1024x256xi32>
    %ne3A_54 = arith.constant 0 : i32
    %ne3A_55 = vector.broadcast %ne3A_54 : i32 to vector<1024x256xi32>
    %ne3A_56 = arith.cmpi ne, %rem3A_53, %ne3A_55 : vector<1024x256xi32>
    %and3A_57 = arith.andi %ne3A_51, %ne3A_56 : vector<1024x256xi1>
    %sub3A_58 = arith.constant 1 : i32
    %sub3A_59 = vector.broadcast %sub3A_58 : i32 to vector<1024x256xi32>
    %sub3A_60 = arith.subi %div3A_33, %sub3A_59 : vector<1024x256xi32>
    %select_n3A_61 = arith.select %and3A_57, %sub3A_60, %div3A_33 : vector<1024x256xi1>, vector<1024x256xi32>
    %eq3A_62 = arith.constant 1 : i32
    %eq3A_63 = vector.broadcast %eq3A_62 : i32 to vector<1024x256xi32>
    %eq3A_64 = arith.cmpi eq, %select_n3A_61, %eq3A_63 : vector<1024x256xi32>
    %convert_element_type3A_65 = arith.extui %eq3A_64 : vector<1024x256xi1> to vector<1024x256xi32>
    %convert_element_type3A_66 = arith.sitofp %convert_element_type3A_65 : vector<1024x256xi32> to vector<1024x256xf32>
    %jit3A_67 = arith.constant 64 : i32
    %div3A_68 = vector.broadcast %jit3A_67 : i32 to vector<1024x256xi32>
    %div3A_69 = arith.divsi %iota3A, %div3A_68 : vector<1024x256xi32>
    %sign3A_70 = arith.constant 0 : i32
    %sign3A_71 = vector.broadcast %sign3A_70 : i32 to vector<1024x256xi32>
    %sign3A_72 = arith.cmpi sgt, %iota3A, %sign3A_71 : vector<1024x256xi32>
    %sign3A_73 = arith.extui %sign3A_72 : vector<1024x256xi1> to vector<1024x256xi32>
    %sign3A_74 = arith.constant 0 : i32
    %sign3A_75 = vector.broadcast %sign3A_74 : i32 to vector<1024x256xi32>
    %sign3A_76 = arith.cmpi slt, %iota3A, %sign3A_75 : vector<1024x256xi32>
    %sign3A_77 = arith.extui %sign3A_76 : vector<1024x256xi1> to vector<1024x256xi32>
    %sign3A_78 = arith.subi %sign3A_73, %sign3A_77 : vector<1024x256xi32>
    %sign3A_79 = arith.constant 0 : i32
    %sign3A_80 = arith.cmpi sgt, %jit3A_67, %sign3A_79 : i32
    %sign3A_81 = arith.extui %sign3A_80 : i1 to i32
    %sign3A_82 = arith.constant 0 : i32
    %sign3A_83 = arith.cmpi slt, %jit3A_67, %sign3A_82 : i32
    %sign3A_84 = arith.extui %sign3A_83 : i1 to i32
    %sign3A_85 = arith.subi %sign3A_81, %sign3A_84 : i32
    %ne3A_86 = vector.broadcast %sign3A_85 : i32 to vector<1024x256xi32>
    %ne3A_87 = arith.cmpi ne, %sign3A_78, %ne3A_86 : vector<1024x256xi32>
    %rem3A_88 = vector.broadcast %jit3A_67 : i32 to vector<1024x256xi32>
    %rem3A_89 = arith.remsi %iota3A, %rem3A_88 : vector<1024x256xi32>
    %ne3A_90 = arith.constant 0 : i32
    %ne3A_91 = vector.broadcast %ne3A_90 : i32 to vector<1024x256xi32>
    %ne3A_92 = arith.cmpi ne, %rem3A_89, %ne3A_91 : vector<1024x256xi32>
    %and3A_93 = arith.andi %ne3A_87, %ne3A_92 : vector<1024x256xi1>
    %sub3A_94 = arith.constant 1 : i32
    %sub3A_95 = vector.broadcast %sub3A_94 : i32 to vector<1024x256xi32>
    %sub3A_96 = arith.subi %div3A_69, %sub3A_95 : vector<1024x256xi32>
    %select_n3A_97 = arith.select %and3A_93, %sub3A_96, %div3A_69 : vector<1024x256xi1>, vector<1024x256xi32>
    %eq3A_98 = arith.constant 2 : i32
    %eq3A_99 = vector.broadcast %eq3A_98 : i32 to vector<1024x256xi32>
    %eq3A_100 = arith.cmpi eq, %select_n3A_97, %eq3A_99 : vector<1024x256xi32>
    %convert_element_type3A_101 = arith.extui %eq3A_100 : vector<1024x256xi1> to vector<1024x256xi32>
    %convert_element_type3A_102 = arith.sitofp %convert_element_type3A_101 : vector<1024x256xi32> to vector<1024x256xf32>
    %jit3A_103 = arith.constant 64 : i32
    %div3A_104 = vector.broadcast %jit3A_103 : i32 to vector<1024x256xi32>
    %div3A_105 = arith.divsi %iota3A, %div3A_104 : vector<1024x256xi32>
    %sign3A_106 = arith.constant 0 : i32
    %sign3A_107 = vector.broadcast %sign3A_106 : i32 to vector<1024x256xi32>
    %sign3A_108 = arith.cmpi sgt, %iota3A, %sign3A_107 : vector<1024x256xi32>
    %sign3A_109 = arith.extui %sign3A_108 : vector<1024x256xi1> to vector<1024x256xi32>
    %sign3A_110 = arith.constant 0 : i32
    %sign3A_111 = vector.broadcast %sign3A_110 : i32 to vector<1024x256xi32>
    %sign3A_112 = arith.cmpi slt, %iota3A, %sign3A_111 : vector<1024x256xi32>
    %sign3A_113 = arith.extui %sign3A_112 : vector<1024x256xi1> to vector<1024x256xi32>
    %sign3A_114 = arith.subi %sign3A_109, %sign3A_113 : vector<1024x256xi32>
    %sign3A_115 = arith.constant 0 : i32
    %sign3A_116 = arith.cmpi sgt, %jit3A_103, %sign3A_115 : i32
    %sign3A_117 = arith.extui %sign3A_116 : i1 to i32
    %sign3A_118 = arith.constant 0 : i32
    %sign3A_119 = arith.cmpi slt, %jit3A_103, %sign3A_118 : i32
    %sign3A_120 = arith.extui %sign3A_119 : i1 to i32
    %sign3A_121 = arith.subi %sign3A_117, %sign3A_120 : i32
    %ne3A_122 = vector.broadcast %sign3A_121 : i32 to vector<1024x256xi32>
    %ne3A_123 = arith.cmpi ne, %sign3A_114, %ne3A_122 : vector<1024x256xi32>
    %rem3A_124 = vector.broadcast %jit3A_103 : i32 to vector<1024x256xi32>
    %rem3A_125 = arith.remsi %iota3A, %rem3A_124 : vector<1024x256xi32>
    %ne3A_126 = arith.constant 0 : i32
    %ne3A_127 = vector.broadcast %ne3A_126 : i32 to vector<1024x256xi32>
    %ne3A_128 = arith.cmpi ne, %rem3A_125, %ne3A_127 : vector<1024x256xi32>
    %and3A_129 = arith.andi %ne3A_123, %ne3A_128 : vector<1024x256xi1>
    %sub3A_130 = arith.constant 1 : i32
    %sub3A_131 = vector.broadcast %sub3A_130 : i32 to vector<1024x256xi32>
    %sub3A_132 = arith.subi %div3A_105, %sub3A_131 : vector<1024x256xi32>
    %select_n3A_133 = arith.select %and3A_129, %sub3A_132, %div3A_105 : vector<1024x256xi1>, vector<1024x256xi32>
    %eq3A_134 = arith.constant 3 : i32
    %eq3A_135 = vector.broadcast %eq3A_134 : i32 to vector<1024x256xi32>
    %eq3A_136 = arith.cmpi eq, %select_n3A_133, %eq3A_135 : vector<1024x256xi32>
    %convert_element_type3A_137 = arith.extui %eq3A_136 : vector<1024x256xi1> to vector<1024x256xi32>
    %convert_element_type3A_138 = arith.sitofp %convert_element_type3A_137 : vector<1024x256xi32> to vector<1024x256xf32>
    %get3A_139 = arith.constant 0 : index
    %get3A_140 = arith.constant 0 : index
    %get3A_141 = vector.load %arg20[%get3A_139, %get3A_140] : memref<256x256xf32, #tpu.memory_space<vmem>>, vector<256x256xf32>
    %dot_general3A = arith.constant dense<0.000000e+00> : vector<1024x256xf32>
    %dot_general3A_142 = tpu.matmul %get3A_1, %get3A_141, %dot_general3A {dimension_numbers = #tpu.dot_dimension_numbers<[1], [0], [0], [1], [0, 0, 1, 1], [], []>, transpose_lhs_hint = false} : vector<1024x256xf32>, vector<256x256xf32>, vector<1024x256xf32> -> vector<1024x256xf32>
    %get3A_143 = arith.constant 0 : index
    %get3A_144 = arith.constant 0 : index
    %get3A_145 = vector.load %arg21[%get3A_143, %get3A_144] : memref<1x256xf32, #tpu.memory_space<vmem>>, vector<1x256xf32>
    %add3A = vector.broadcast %get3A_145 : vector<1x256xf32> to vector<1024x256xf32>
    %add3A_146 = arith.addf %dot_general3A_142, %add3A : vector<1024x256xf32>
    %get3A_147 = arith.constant 0 : index
    %get3A_148 = arith.constant 0 : index
    %get3A_149 = vector.load %arg22[%get3A_147, %get3A_148] : memref<256x256xf32, #tpu.memory_space<vmem>>, vector<256x256xf32>
    %dot_general3A_150 = arith.constant dense<0.000000e+00> : vector<1024x256xf32>
    %dot_general3A_151 = tpu.matmul %get3A_4, %get3A_149, %dot_general3A_150 {dimension_numbers = #tpu.dot_dimension_numbers<[1], [0], [0], [1], [0, 0, 1, 1], [], []>, transpose_lhs_hint = false} : vector<1024x256xf32>, vector<256x256xf32>, vector<1024x256xf32> -> vector<1024x256xf32>
    %get3A_152 = arith.constant 0 : index
    %get3A_153 = arith.constant 0 : index
    %get3A_154 = vector.load %arg23[%get3A_152, %get3A_153] : memref<1x256xf32, #tpu.memory_space<vmem>>, vector<1x256xf32>
    %add3A_155 = vector.broadcast %get3A_154 : vector<1x256xf32> to vector<1024x256xf32>
    %add3A_156 = arith.addf %dot_general3A_151, %add3A_155 : vector<1024x256xf32>
    %get3A_157 = arith.constant 0 : index
    %get3A_158 = arith.constant 0 : index
    %get3A_159 = vector.load %arg24[%get3A_157, %get3A_158] : memref<256x256xf32, #tpu.memory_space<vmem>>, vector<256x256xf32>
    %dot_general3A_160 = arith.constant dense<0.000000e+00> : vector<1024x256xf32>
    %dot_general3A_161 = tpu.matmul %get3A_4, %get3A_159, %dot_general3A_160 {dimension_numbers = #tpu.dot_dimension_numbers<[1], [0], [0], [1], [0, 0, 1, 1], [], []>, transpose_lhs_hint = false} : vector<1024x256xf32>, vector<256x256xf32>, vector<1024x256xf32> -> vector<1024x256xf32>
    %get3A_162 = arith.constant 0 : index
    %get3A_163 = arith.constant 0 : index
    %get3A_164 = vector.load %arg25[%get3A_162, %get3A_163] : memref<1x256xf32, #tpu.memory_space<vmem>>, vector<1x256xf32>
    %add3A_165 = vector.broadcast %get3A_164 : vector<1x256xf32> to vector<1024x256xf32>
    %add3A_166 = arith.addf %dot_general3A_161, %add3A_165 : vector<1024x256xf32>
    %get3A_167 = arith.constant 0 : index
    %get3A_168 = arith.constant 0 : index
    %get3A_169 = vector.load %arg2[%get3A_167, %get3A_168] : memref<1024x512xf32, #tpu.memory_space<vmem>>, vector<1024x512xf32>
    %get3A_170 = arith.constant 0 : index
    %get3A_171 = arith.constant 0 : index
    %get3A_172 = vector.load %arg12[%get3A_170, %get3A_171] : memref<512x256xf32, #tpu.memory_space<vmem>>, vector<512x256xf32>
    %dot_general3A_173 = arith.constant dense<0.000000e+00> : vector<1024x256xf32>
    %dot_general3A_174 = tpu.matmul %get3A_169, %get3A_172, %dot_general3A_173 {dimension_numbers = #tpu.dot_dimension_numbers<[1], [0], [0], [1], [0, 0, 1, 1], [], []>, transpose_lhs_hint = false} : vector<1024x512xf32>, vector<512x256xf32>, vector<1024x256xf32> -> vector<1024x256xf32>
    %get3A_175 = arith.constant 0 : index
    %get3A_176 = arith.constant 0 : index
    %get3A_177 = vector.load %arg13[%get3A_175, %get3A_176] : memref<1x256xf32, #tpu.memory_space<vmem>>, vector<1x256xf32>
    %add3A_178 = vector.broadcast %get3A_177 : vector<1x256xf32> to vector<1024x256xf32>
    %add3A_179 = arith.addf %dot_general3A_174, %add3A_178 : vector<1024x256xf32>
    %get3A_180 = arith.constant 0 : index
    %get3A_181 = arith.constant 0 : index
    %get3A_182 = vector.load %arg14[%get3A_180, %get3A_181] : memref<1x256xf32, #tpu.memory_space<vmem>>, vector<1x256xf32>
    %get3A_183 = arith.constant 0 : index
    %get3A_184 = arith.constant 0 : index
    %get3A_185 = vector.load %arg15[%get3A_183, %get3A_184] : memref<1x256xf32, #tpu.memory_space<vmem>>, vector<1x256xf32>
    %reduce_sum3A = arith.constant dense<0.000000e+00> : vector<1024xf32>
    %reduce_sum3A_186 = vector.multi_reduction <add>, %add3A_179, %reduce_sum3A [1] : vector<1024x256xf32> to vector<1024xf32>
    %broadcast_in_dim3A = vector.shape_cast %reduce_sum3A_186 : vector<1024xf32> to vector<1024x1xf32>
    %div3A_187 = arith.constant 2.560000e+02 : f32
    %div3A_188 = vector.broadcast %div3A_187 : f32 to vector<1024x1xf32>
    %div3A_189 = arith.divf %broadcast_in_dim3A, %div3A_188 : vector<1024x1xf32>
    %sub3A_190 = vector.broadcast %div3A_189 : vector<1024x1xf32> to vector<1024x256xf32>
    %sub3A_191 = arith.subf %add3A_179, %sub3A_190 : vector<1024x256xf32>
    %integer_pow3A = arith.mulf %sub3A_191, %sub3A_191 : vector<1024x256xf32>
    %reduce_sum3A_192 = arith.constant dense<0.000000e+00> : vector<1024xf32>
    %reduce_sum3A_193 = vector.multi_reduction <add>, %integer_pow3A, %reduce_sum3A_192 [1] : vector<1024x256xf32> to vector<1024xf32>
    %broadcast_in_dim3A_194 = vector.shape_cast %reduce_sum3A_193 : vector<1024xf32> to vector<1024x1xf32>
    %div3A_195 = arith.constant 2.560000e+02 : f32
    %div3A_196 = vector.broadcast %div3A_195 : f32 to vector<1024x1xf32>
    %div3A_197 = arith.divf %broadcast_in_dim3A_194, %div3A_196 : vector<1024x1xf32>
    %sub3A_198 = vector.broadcast %div3A_189 : vector<1024x1xf32> to vector<1024x256xf32>
    %sub3A_199 = arith.subf %add3A_179, %sub3A_198 : vector<1024x256xf32>
    %add3A_200 = arith.constant 9.99999974E-6 : f32
    %add3A_201 = vector.broadcast %add3A_200 : f32 to vector<1024x1xf32>
    %add3A_202 = arith.addf %div3A_197, %add3A_201 : vector<1024x1xf32>
    %sqrt3A = math.sqrt %add3A_202 : vector<1024x1xf32>
    %div3A_203 = vector.broadcast %sqrt3A : vector<1024x1xf32> to vector<1024x256xf32>
    %div3A_204 = arith.divf %sub3A_199, %div3A_203 : vector<1024x256xf32>
    %mul3A = vector.broadcast %get3A_182 : vector<1x256xf32> to vector<1024x256xf32>
    %mul3A_205 = arith.mulf %div3A_204, %mul3A : vector<1024x256xf32>
    %add3A_206 = vector.broadcast %get3A_185 : vector<1x256xf32> to vector<1024x256xf32>
    %add3A_207 = arith.addf %mul3A_205, %add3A_206 : vector<1024x256xf32>
    %max3A = arith.constant 0.000000e+00 : f32
    %max3A_208 = vector.broadcast %max3A : f32 to vector<1024x256xf32>
    %max3A_209 = arith.maximumf %add3A_207, %max3A_208 : vector<1024x256xf32>
    %get3A_210 = arith.constant 0 : index
    %get3A_211 = arith.constant 0 : index
    %get3A_212 = vector.load %arg7[%get3A_210, %get3A_211] : memref<1024x256xf32, #tpu.memory_space<vmem>>, vector<1024x256xf32>
    %get3A_213 = arith.constant 0 : index
    %get3A_214 = arith.constant 0 : index
    %get3A_215 = vector.load %arg16[%get3A_213, %get3A_214] : memref<256x256xf32, #tpu.memory_space<vmem>>, vector<256x256xf32>
    %dot_general3A_216 = arith.constant dense<0.000000e+00> : vector<1024x256xf32>
    %dot_general3A_217 = tpu.matmul %get3A_212, %get3A_215, %dot_general3A_216 {dimension_numbers = #tpu.dot_dimension_numbers<[1], [0], [0], [1], [0, 0, 1, 1], [], []>, transpose_lhs_hint = false} : vector<1024x256xf32>, vector<256x256xf32>, vector<1024x256xf32> -> vector<1024x256xf32>
    %get3A_218 = arith.constant 0 : index
    %get3A_219 = arith.constant 0 : index
    %get3A_220 = vector.load %arg17[%get3A_218, %get3A_219] : memref<1x256xf32, #tpu.memory_space<vmem>>, vector<1x256xf32>
    %add3A_221 = vector.broadcast %get3A_220 : vector<1x256xf32> to vector<1024x256xf32>
    %add3A_222 = arith.addf %dot_general3A_217, %add3A_221 : vector<1024x256xf32>
    %get3A_223 = arith.constant 0 : index
    %get3A_224 = arith.constant 0 : index
    %get3A_225 = vector.load %arg18[%get3A_223, %get3A_224] : memref<1x256xf32, #tpu.memory_space<vmem>>, vector<1x256xf32>
    %get3A_226 = arith.constant 0 : index
    %get3A_227 = arith.constant 0 : index
    %get3A_228 = vector.load %arg19[%get3A_226, %get3A_227] : memref<1x256xf32, #tpu.memory_space<vmem>>, vector<1x256xf32>
    %reduce_sum3A_229 = arith.constant dense<0.000000e+00> : vector<1024xf32>
    %reduce_sum3A_230 = vector.multi_reduction <add>, %add3A_222, %reduce_sum3A_229 [1] : vector<1024x256xf32> to vector<1024xf32>
    %broadcast_in_dim3A_231 = vector.shape_cast %reduce_sum3A_230 : vector<1024xf32> to vector<1024x1xf32>
    %div3A_232 = arith.constant 2.560000e+02 : f32
    %div3A_233 = vector.broadcast %div3A_232 : f32 to vector<1024x1xf32>
    %div3A_234 = arith.divf %broadcast_in_dim3A_231, %div3A_233 : vector<1024x1xf32>
    %sub3A_235 = vector.broadcast %div3A_234 : vector<1024x1xf32> to vector<1024x256xf32>
    %sub3A_236 = arith.subf %add3A_222, %sub3A_235 : vector<1024x256xf32>
    %integer_pow3A_237 = arith.mulf %sub3A_236, %sub3A_236 : vector<1024x256xf32>
    %reduce_sum3A_238 = arith.constant dense<0.000000e+00> : vector<1024xf32>
    %reduce_sum3A_239 = vector.multi_reduction <add>, %integer_pow3A_237, %reduce_sum3A_238 [1] : vector<1024x256xf32> to vector<1024xf32>
    %broadcast_in_dim3A_240 = vector.shape_cast %reduce_sum3A_239 : vector<1024xf32> to vector<1024x1xf32>
    %div3A_241 = arith.constant 2.560000e+02 : f32
    %div3A_242 = vector.broadcast %div3A_241 : f32 to vector<1024x1xf32>
    %div3A_243 = arith.divf %broadcast_in_dim3A_240, %div3A_242 : vector<1024x1xf32>
    %sub3A_244 = vector.broadcast %div3A_234 : vector<1024x1xf32> to vector<1024x256xf32>
    %sub3A_245 = arith.subf %add3A_222, %sub3A_244 : vector<1024x256xf32>
    %add3A_246 = arith.constant 9.99999974E-6 : f32
    %add3A_247 = vector.broadcast %add3A_246 : f32 to vector<1024x1xf32>
    %add3A_248 = arith.addf %div3A_243, %add3A_247 : vector<1024x1xf32>
    %sqrt3A_249 = math.sqrt %add3A_248 : vector<1024x1xf32>
    %div3A_250 = vector.broadcast %sqrt3A_249 : vector<1024x1xf32> to vector<1024x256xf32>
    %div3A_251 = arith.divf %sub3A_245, %div3A_250 : vector<1024x256xf32>
    %mul3A_252 = vector.broadcast %get3A_225 : vector<1x256xf32> to vector<1024x256xf32>
    %mul3A_253 = arith.mulf %div3A_251, %mul3A_252 : vector<1024x256xf32>
    %add3A_254 = vector.broadcast %get3A_228 : vector<1x256xf32> to vector<1024x256xf32>
    %add3A_255 = arith.addf %mul3A_253, %add3A_254 : vector<1024x256xf32>
    %max3A_256 = arith.constant 0.000000e+00 : f32
    %max3A_257 = vector.broadcast %max3A_256 : f32 to vector<1024x256xf32>
    %max3A_258 = arith.maximumf %add3A_255, %max3A_257 : vector<1024x256xf32>
    %get3A_259 = arith.constant 0 : index
    %get3A_260 = arith.constant 0 : index
    %get3A_261 = vector.load %arg22[%get3A_259, %get3A_260] : memref<256x256xf32, #tpu.memory_space<vmem>>, vector<256x256xf32>
    %dot_general3A_262 = arith.constant dense<0.000000e+00> : vector<1024x256xf32>
    %dot_general3A_263 = tpu.matmul %max3A_209, %get3A_261, %dot_general3A_262 {dimension_numbers = #tpu.dot_dimension_numbers<[1], [0], [0], [1], [0, 0, 1, 1], [], []>, transpose_lhs_hint = false} : vector<1024x256xf32>, vector<256x256xf32>, vector<1024x256xf32> -> vector<1024x256xf32>
    %get3A_264 = arith.constant 0 : index
    %get3A_265 = arith.constant 0 : index
    %get3A_266 = vector.load %arg23[%get3A_264, %get3A_265] : memref<1x256xf32, #tpu.memory_space<vmem>>, vector<1x256xf32>
    %add3A_267 = vector.broadcast %get3A_266 : vector<1x256xf32> to vector<1024x256xf32>
    %add3A_268 = arith.addf %dot_general3A_263, %add3A_267 : vector<1024x256xf32>
    %get3A_269 = arith.constant 0 : index
    %get3A_270 = arith.constant 0 : index
    %get3A_271 = vector.load %arg24[%get3A_269, %get3A_270] : memref<256x256xf32, #tpu.memory_space<vmem>>, vector<256x256xf32>
    %dot_general3A_272 = arith.constant dense<0.000000e+00> : vector<1024x256xf32>
    %dot_general3A_273 = tpu.matmul %max3A_258, %get3A_271, %dot_general3A_272 {dimension_numbers = #tpu.dot_dimension_numbers<[1], [0], [0], [1], [0, 0, 1, 1], [], []>, transpose_lhs_hint = false} : vector<1024x256xf32>, vector<256x256xf32>, vector<1024x256xf32> -> vector<1024x256xf32>
    %get3A_274 = arith.constant 0 : index
    %get3A_275 = arith.constant 0 : index
    %get3A_276 = vector.load %arg25[%get3A_274, %get3A_275] : memref<1x256xf32, #tpu.memory_space<vmem>>, vector<1x256xf32>
    %add3A_277 = vector.broadcast %get3A_276 : vector<1x256xf32> to vector<1024x256xf32>
    %add3A_278 = arith.addf %dot_general3A_273, %add3A_277 : vector<1024x256xf32>
    %get3A_279 = arith.constant 0 : index
    %get3A_280 = arith.constant 0 : index
    %get3A_281 = vector.load %arg3[%get3A_279, %get3A_280] : memref<1024x512xf32, #tpu.memory_space<vmem>>, vector<1024x512xf32>
    %get3A_282 = arith.constant 0 : index
    %get3A_283 = arith.constant 0 : index
    %get3A_284 = vector.load %arg12[%get3A_282, %get3A_283] : memref<512x256xf32, #tpu.memory_space<vmem>>, vector<512x256xf32>
    %dot_general3A_285 = arith.constant dense<0.000000e+00> : vector<1024x256xf32>
    %dot_general3A_286 = tpu.matmul %get3A_281, %get3A_284, %dot_general3A_285 {dimension_numbers = #tpu.dot_dimension_numbers<[1], [0], [0], [1], [0, 0, 1, 1], [], []>, transpose_lhs_hint = false} : vector<1024x512xf32>, vector<512x256xf32>, vector<1024x256xf32> -> vector<1024x256xf32>
    %get3A_287 = arith.constant 0 : index
    %get3A_288 = arith.constant 0 : index
    %get3A_289 = vector.load %arg13[%get3A_287, %get3A_288] : memref<1x256xf32, #tpu.memory_space<vmem>>, vector<1x256xf32>
    %add3A_290 = vector.broadcast %get3A_289 : vector<1x256xf32> to vector<1024x256xf32>
    %add3A_291 = arith.addf %dot_general3A_286, %add3A_290 : vector<1024x256xf32>
    %get3A_292 = arith.constant 0 : index
    %get3A_293 = arith.constant 0 : index
    %get3A_294 = vector.load %arg14[%get3A_292, %get3A_293] : memref<1x256xf32, #tpu.memory_space<vmem>>, vector<1x256xf32>
    %get3A_295 = arith.constant 0 : index
    %get3A_296 = arith.constant 0 : index
    %get3A_297 = vector.load %arg15[%get3A_295, %get3A_296] : memref<1x256xf32, #tpu.memory_space<vmem>>, vector<1x256xf32>
    %reduce_sum3A_298 = arith.constant dense<0.000000e+00> : vector<1024xf32>
    %reduce_sum3A_299 = vector.multi_reduction <add>, %add3A_291, %reduce_sum3A_298 [1] : vector<1024x256xf32> to vector<1024xf32>
    %broadcast_in_dim3A_300 = vector.shape_cast %reduce_sum3A_299 : vector<1024xf32> to vector<1024x1xf32>
    %div3A_301 = arith.constant 2.560000e+02 : f32
    %div3A_302 = vector.broadcast %div3A_301 : f32 to vector<1024x1xf32>
    %div3A_303 = arith.divf %broadcast_in_dim3A_300, %div3A_302 : vector<1024x1xf32>
    %sub3A_304 = vector.broadcast %div3A_303 : vector<1024x1xf32> to vector<1024x256xf32>
    %sub3A_305 = arith.subf %add3A_291, %sub3A_304 : vector<1024x256xf32>
    %integer_pow3A_306 = arith.mulf %sub3A_305, %sub3A_305 : vector<1024x256xf32>
    %reduce_sum3A_307 = arith.constant dense<0.000000e+00> : vector<1024xf32>
    %reduce_sum3A_308 = vector.multi_reduction <add>, %integer_pow3A_306, %reduce_sum3A_307 [1] : vector<1024x256xf32> to vector<1024xf32>
    %broadcast_in_dim3A_309 = vector.shape_cast %reduce_sum3A_308 : vector<1024xf32> to vector<1024x1xf32>
    %div3A_310 = arith.constant 2.560000e+02 : f32
    %div3A_311 = vector.broadcast %div3A_310 : f32 to vector<1024x1xf32>
    %div3A_312 = arith.divf %broadcast_in_dim3A_309, %div3A_311 : vector<1024x1xf32>
    %sub3A_313 = vector.broadcast %div3A_303 : vector<1024x1xf32> to vector<1024x256xf32>
    %sub3A_314 = arith.subf %add3A_291, %sub3A_313 : vector<1024x256xf32>
    %add3A_315 = arith.constant 9.99999974E-6 : f32
    %add3A_316 = vector.broadcast %add3A_315 : f32 to vector<1024x1xf32>
    %add3A_317 = arith.addf %div3A_312, %add3A_316 : vector<1024x1xf32>
    %sqrt3A_318 = math.sqrt %add3A_317 : vector<1024x1xf32>
    %div3A_319 = vector.broadcast %sqrt3A_318 : vector<1024x1xf32> to vector<1024x256xf32>
    %div3A_320 = arith.divf %sub3A_314, %div3A_319 : vector<1024x256xf32>
    %mul3A_321 = vector.broadcast %get3A_294 : vector<1x256xf32> to vector<1024x256xf32>
    %mul3A_322 = arith.mulf %div3A_320, %mul3A_321 : vector<1024x256xf32>
    %add3A_323 = vector.broadcast %get3A_297 : vector<1x256xf32> to vector<1024x256xf32>
    %add3A_324 = arith.addf %mul3A_322, %add3A_323 : vector<1024x256xf32>
    %max3A_325 = arith.constant 0.000000e+00 : f32
    %max3A_326 = vector.broadcast %max3A_325 : f32 to vector<1024x256xf32>
    %max3A_327 = arith.maximumf %add3A_324, %max3A_326 : vector<1024x256xf32>
    %get3A_328 = arith.constant 0 : index
    %get3A_329 = arith.constant 0 : index
    %get3A_330 = vector.load %arg8[%get3A_328, %get3A_329] : memref<1024x256xf32, #tpu.memory_space<vmem>>, vector<1024x256xf32>
    %get3A_331 = arith.constant 0 : index
    %get3A_332 = arith.constant 0 : index
    %get3A_333 = vector.load %arg16[%get3A_331, %get3A_332] : memref<256x256xf32, #tpu.memory_space<vmem>>, vector<256x256xf32>
    %dot_general3A_334 = arith.constant dense<0.000000e+00> : vector<1024x256xf32>
    %dot_general3A_335 = tpu.matmul %get3A_330, %get3A_333, %dot_general3A_334 {dimension_numbers = #tpu.dot_dimension_numbers<[1], [0], [0], [1], [0, 0, 1, 1], [], []>, transpose_lhs_hint = false} : vector<1024x256xf32>, vector<256x256xf32>, vector<1024x256xf32> -> vector<1024x256xf32>
    %get3A_336 = arith.constant 0 : index
    %get3A_337 = arith.constant 0 : index
    %get3A_338 = vector.load %arg17[%get3A_336, %get3A_337] : memref<1x256xf32, #tpu.memory_space<vmem>>, vector<1x256xf32>
    %add3A_339 = vector.broadcast %get3A_338 : vector<1x256xf32> to vector<1024x256xf32>
    %add3A_340 = arith.addf %dot_general3A_335, %add3A_339 : vector<1024x256xf32>
    %get3A_341 = arith.constant 0 : index
    %get3A_342 = arith.constant 0 : index
    %get3A_343 = vector.load %arg18[%get3A_341, %get3A_342] : memref<1x256xf32, #tpu.memory_space<vmem>>, vector<1x256xf32>
    %get3A_344 = arith.constant 0 : index
    %get3A_345 = arith.constant 0 : index
    %get3A_346 = vector.load %arg19[%get3A_344, %get3A_345] : memref<1x256xf32, #tpu.memory_space<vmem>>, vector<1x256xf32>
    %reduce_sum3A_347 = arith.constant dense<0.000000e+00> : vector<1024xf32>
    %reduce_sum3A_348 = vector.multi_reduction <add>, %add3A_340, %reduce_sum3A_347 [1] : vector<1024x256xf32> to vector<1024xf32>
    %broadcast_in_dim3A_349 = vector.shape_cast %reduce_sum3A_348 : vector<1024xf32> to vector<1024x1xf32>
    %div3A_350 = arith.constant 2.560000e+02 : f32
    %div3A_351 = vector.broadcast %div3A_350 : f32 to vector<1024x1xf32>
    %div3A_352 = arith.divf %broadcast_in_dim3A_349, %div3A_351 : vector<1024x1xf32>
    %sub3A_353 = vector.broadcast %div3A_352 : vector<1024x1xf32> to vector<1024x256xf32>
    %sub3A_354 = arith.subf %add3A_340, %sub3A_353 : vector<1024x256xf32>
    %integer_pow3A_355 = arith.mulf %sub3A_354, %sub3A_354 : vector<1024x256xf32>
    %reduce_sum3A_356 = arith.constant dense<0.000000e+00> : vector<1024xf32>
    %reduce_sum3A_357 = vector.multi_reduction <add>, %integer_pow3A_355, %reduce_sum3A_356 [1] : vector<1024x256xf32> to vector<1024xf32>
    %broadcast_in_dim3A_358 = vector.shape_cast %reduce_sum3A_357 : vector<1024xf32> to vector<1024x1xf32>
    %div3A_359 = arith.constant 2.560000e+02 : f32
    %div3A_360 = vector.broadcast %div3A_359 : f32 to vector<1024x1xf32>
    %div3A_361 = arith.divf %broadcast_in_dim3A_358, %div3A_360 : vector<1024x1xf32>
    %sub3A_362 = vector.broadcast %div3A_352 : vector<1024x1xf32> to vector<1024x256xf32>
    %sub3A_363 = arith.subf %add3A_340, %sub3A_362 : vector<1024x256xf32>
    %add3A_364 = arith.constant 9.99999974E-6 : f32
    %add3A_365 = vector.broadcast %add3A_364 : f32 to vector<1024x1xf32>
    %add3A_366 = arith.addf %div3A_361, %add3A_365 : vector<1024x1xf32>
    %sqrt3A_367 = math.sqrt %add3A_366 : vector<1024x1xf32>
    %div3A_368 = vector.broadcast %sqrt3A_367 : vector<1024x1xf32> to vector<1024x256xf32>
    %div3A_369 = arith.divf %sub3A_363, %div3A_368 : vector<1024x256xf32>
    %mul3A_370 = vector.broadcast %get3A_343 : vector<1x256xf32> to vector<1024x256xf32>
    %mul3A_371 = arith.mulf %div3A_369, %mul3A_370 : vector<1024x256xf32>
    %add3A_372 = vector.broadcast %get3A_346 : vector<1x256xf32> to vector<1024x256xf32>
    %add3A_373 = arith.addf %mul3A_371, %add3A_372 : vector<1024x256xf32>
    %max3A_374 = arith.constant 0.000000e+00 : f32
    %max3A_375 = vector.broadcast %max3A_374 : f32 to vector<1024x256xf32>
    %max3A_376 = arith.maximumf %add3A_373, %max3A_375 : vector<1024x256xf32>
    %get3A_377 = arith.constant 0 : index
    %get3A_378 = arith.constant 0 : index
    %get3A_379 = vector.load %arg22[%get3A_377, %get3A_378] : memref<256x256xf32, #tpu.memory_space<vmem>>, vector<256x256xf32>
    %dot_general3A_380 = arith.constant dense<0.000000e+00> : vector<1024x256xf32>
    %dot_general3A_381 = tpu.matmul %max3A_327, %get3A_379, %dot_general3A_380 {dimension_numbers = #tpu.dot_dimension_numbers<[1], [0], [0], [1], [0, 0, 1, 1], [], []>, transpose_lhs_hint = false} : vector<1024x256xf32>, vector<256x256xf32>, vector<1024x256xf32> -> vector<1024x256xf32>
    %get3A_382 = arith.constant 0 : index
    %get3A_383 = arith.constant 0 : index
    %get3A_384 = vector.load %arg23[%get3A_382, %get3A_383] : memref<1x256xf32, #tpu.memory_space<vmem>>, vector<1x256xf32>
    %add3A_385 = vector.broadcast %get3A_384 : vector<1x256xf32> to vector<1024x256xf32>
    %add3A_386 = arith.addf %dot_general3A_381, %add3A_385 : vector<1024x256xf32>
    %get3A_387 = arith.constant 0 : index
    %get3A_388 = arith.constant 0 : index
    %get3A_389 = vector.load %arg24[%get3A_387, %get3A_388] : memref<256x256xf32, #tpu.memory_space<vmem>>, vector<256x256xf32>
    %dot_general3A_390 = arith.constant dense<0.000000e+00> : vector<1024x256xf32>
    %dot_general3A_391 = tpu.matmul %max3A_376, %get3A_389, %dot_general3A_390 {dimension_numbers = #tpu.dot_dimension_numbers<[1], [0], [0], [1], [0, 0, 1, 1], [], []>, transpose_lhs_hint = false} : vector<1024x256xf32>, vector<256x256xf32>, vector<1024x256xf32> -> vector<1024x256xf32>
    %get3A_392 = arith.constant 0 : index
    %get3A_393 = arith.constant 0 : index
    %get3A_394 = vector.load %arg25[%get3A_392, %get3A_393] : memref<1x256xf32, #tpu.memory_space<vmem>>, vector<1x256xf32>
    %add3A_395 = vector.broadcast %get3A_394 : vector<1x256xf32> to vector<1024x256xf32>
    %add3A_396 = arith.addf %dot_general3A_391, %add3A_395 : vector<1024x256xf32>
    %get3A_397 = arith.constant 0 : index
    %get3A_398 = arith.constant 0 : index
    %get3A_399 = vector.load %arg4[%get3A_397, %get3A_398] : memref<1024x512xf32, #tpu.memory_space<vmem>>, vector<1024x512xf32>
    %get3A_400 = arith.constant 0 : index
    %get3A_401 = arith.constant 0 : index
    %get3A_402 = vector.load %arg12[%get3A_400, %get3A_401] : memref<512x256xf32, #tpu.memory_space<vmem>>, vector<512x256xf32>
    %dot_general3A_403 = arith.constant dense<0.000000e+00> : vector<1024x256xf32>
    %dot_general3A_404 = tpu.matmul %get3A_399, %get3A_402, %dot_general3A_403 {dimension_numbers = #tpu.dot_dimension_numbers<[1], [0], [0], [1], [0, 0, 1, 1], [], []>, transpose_lhs_hint = false} : vector<1024x512xf32>, vector<512x256xf32>, vector<1024x256xf32> -> vector<1024x256xf32>
    %get3A_405 = arith.constant 0 : index
    %get3A_406 = arith.constant 0 : index
    %get3A_407 = vector.load %arg13[%get3A_405, %get3A_406] : memref<1x256xf32, #tpu.memory_space<vmem>>, vector<1x256xf32>
    %add3A_408 = vector.broadcast %get3A_407 : vector<1x256xf32> to vector<1024x256xf32>
    %add3A_409 = arith.addf %dot_general3A_404, %add3A_408 : vector<1024x256xf32>
    %get3A_410 = arith.constant 0 : index
    %get3A_411 = arith.constant 0 : index
    %get3A_412 = vector.load %arg14[%get3A_410, %get3A_411] : memref<1x256xf32, #tpu.memory_space<vmem>>, vector<1x256xf32>
    %get3A_413 = arith.constant 0 : index
    %get3A_414 = arith.constant 0 : index
    %get3A_415 = vector.load %arg15[%get3A_413, %get3A_414] : memref<1x256xf32, #tpu.memory_space<vmem>>, vector<1x256xf32>
    %reduce_sum3A_416 = arith.constant dense<0.000000e+00> : vector<1024xf32>
    %reduce_sum3A_417 = vector.multi_reduction <add>, %add3A_409, %reduce_sum3A_416 [1] : vector<1024x256xf32> to vector<1024xf32>
    %broadcast_in_dim3A_418 = vector.shape_cast %reduce_sum3A_417 : vector<1024xf32> to vector<1024x1xf32>
    %div3A_419 = arith.constant 2.560000e+02 : f32
    %div3A_420 = vector.broadcast %div3A_419 : f32 to vector<1024x1xf32>
    %div3A_421 = arith.divf %broadcast_in_dim3A_418, %div3A_420 : vector<1024x1xf32>
    %sub3A_422 = vector.broadcast %div3A_421 : vector<1024x1xf32> to vector<1024x256xf32>
    %sub3A_423 = arith.subf %add3A_409, %sub3A_422 : vector<1024x256xf32>
    %integer_pow3A_424 = arith.mulf %sub3A_423, %sub3A_423 : vector<1024x256xf32>
    %reduce_sum3A_425 = arith.constant dense<0.000000e+00> : vector<1024xf32>
    %reduce_sum3A_426 = vector.multi_reduction <add>, %integer_pow3A_424, %reduce_sum3A_425 [1] : vector<1024x256xf32> to vector<1024xf32>
    %broadcast_in_dim3A_427 = vector.shape_cast %reduce_sum3A_426 : vector<1024xf32> to vector<1024x1xf32>
    %div3A_428 = arith.constant 2.560000e+02 : f32
    %div3A_429 = vector.broadcast %div3A_428 : f32 to vector<1024x1xf32>
    %div3A_430 = arith.divf %broadcast_in_dim3A_427, %div3A_429 : vector<1024x1xf32>
    %sub3A_431 = vector.broadcast %div3A_421 : vector<1024x1xf32> to vector<1024x256xf32>
    %sub3A_432 = arith.subf %add3A_409, %sub3A_431 : vector<1024x256xf32>
    %add3A_433 = arith.constant 9.99999974E-6 : f32
    %add3A_434 = vector.broadcast %add3A_433 : f32 to vector<1024x1xf32>
    %add3A_435 = arith.addf %div3A_430, %add3A_434 : vector<1024x1xf32>
    %sqrt3A_436 = math.sqrt %add3A_435 : vector<1024x1xf32>
    %div3A_437 = vector.broadcast %sqrt3A_436 : vector<1024x1xf32> to vector<1024x256xf32>
    %div3A_438 = arith.divf %sub3A_432, %div3A_437 : vector<1024x256xf32>
    %mul3A_439 = vector.broadcast %get3A_412 : vector<1x256xf32> to vector<1024x256xf32>
    %mul3A_440 = arith.mulf %div3A_438, %mul3A_439 : vector<1024x256xf32>
    %add3A_441 = vector.broadcast %get3A_415 : vector<1x256xf32> to vector<1024x256xf32>
    %add3A_442 = arith.addf %mul3A_440, %add3A_441 : vector<1024x256xf32>
    %max3A_443 = arith.constant 0.000000e+00 : f32
    %max3A_444 = vector.broadcast %max3A_443 : f32 to vector<1024x256xf32>
    %max3A_445 = arith.maximumf %add3A_442, %max3A_444 : vector<1024x256xf32>
    %get3A_446 = arith.constant 0 : index
    %get3A_447 = arith.constant 0 : index
    %get3A_448 = vector.load %arg9[%get3A_446, %get3A_447] : memref<1024x256xf32, #tpu.memory_space<vmem>>, vector<1024x256xf32>
    %get3A_449 = arith.constant 0 : index
    %get3A_450 = arith.constant 0 : index
    %get3A_451 = vector.load %arg16[%get3A_449, %get3A_450] : memref<256x256xf32, #tpu.memory_space<vmem>>, vector<256x256xf32>
    %dot_general3A_452 = arith.constant dense<0.000000e+00> : vector<1024x256xf32>
    %dot_general3A_453 = tpu.matmul %get3A_448, %get3A_451, %dot_general3A_452 {dimension_numbers = #tpu.dot_dimension_numbers<[1], [0], [0], [1], [0, 0, 1, 1], [], []>, transpose_lhs_hint = false} : vector<1024x256xf32>, vector<256x256xf32>, vector<1024x256xf32> -> vector<1024x256xf32>
    %get3A_454 = arith.constant 0 : index
    %get3A_455 = arith.constant 0 : index
    %get3A_456 = vector.load %arg17[%get3A_454, %get3A_455] : memref<1x256xf32, #tpu.memory_space<vmem>>, vector<1x256xf32>
    %add3A_457 = vector.broadcast %get3A_456 : vector<1x256xf32> to vector<1024x256xf32>
    %add3A_458 = arith.addf %dot_general3A_453, %add3A_457 : vector<1024x256xf32>
    %get3A_459 = arith.constant 0 : index
    %get3A_460 = arith.constant 0 : index
    %get3A_461 = vector.load %arg18[%get3A_459, %get3A_460] : memref<1x256xf32, #tpu.memory_space<vmem>>, vector<1x256xf32>
    %get3A_462 = arith.constant 0 : index
    %get3A_463 = arith.constant 0 : index
    %get3A_464 = vector.load %arg19[%get3A_462, %get3A_463] : memref<1x256xf32, #tpu.memory_space<vmem>>, vector<1x256xf32>
    %reduce_sum3A_465 = arith.constant dense<0.000000e+00> : vector<1024xf32>
    %reduce_sum3A_466 = vector.multi_reduction <add>, %add3A_458, %reduce_sum3A_465 [1] : vector<1024x256xf32> to vector<1024xf32>
    %broadcast_in_dim3A_467 = vector.shape_cast %reduce_sum3A_466 : vector<1024xf32> to vector<1024x1xf32>
    %div3A_468 = arith.constant 2.560000e+02 : f32
    %div3A_469 = vector.broadcast %div3A_468 : f32 to vector<1024x1xf32>
    %div3A_470 = arith.divf %broadcast_in_dim3A_467, %div3A_469 : vector<1024x1xf32>
    %sub3A_471 = vector.broadcast %div3A_470 : vector<1024x1xf32> to vector<1024x256xf32>
    %sub3A_472 = arith.subf %add3A_458, %sub3A_471 : vector<1024x256xf32>
    %integer_pow3A_473 = arith.mulf %sub3A_472, %sub3A_472 : vector<1024x256xf32>
    %reduce_sum3A_474 = arith.constant dense<0.000000e+00> : vector<1024xf32>
    %reduce_sum3A_475 = vector.multi_reduction <add>, %integer_pow3A_473, %reduce_sum3A_474 [1] : vector<1024x256xf32> to vector<1024xf32>
    %broadcast_in_dim3A_476 = vector.shape_cast %reduce_sum3A_475 : vector<1024xf32> to vector<1024x1xf32>
    %div3A_477 = arith.constant 2.560000e+02 : f32
    %div3A_478 = vector.broadcast %div3A_477 : f32 to vector<1024x1xf32>
    %div3A_479 = arith.divf %broadcast_in_dim3A_476, %div3A_478 : vector<1024x1xf32>
    %sub3A_480 = vector.broadcast %div3A_470 : vector<1024x1xf32> to vector<1024x256xf32>
    %sub3A_481 = arith.subf %add3A_458, %sub3A_480 : vector<1024x256xf32>
    %add3A_482 = arith.constant 9.99999974E-6 : f32
    %add3A_483 = vector.broadcast %add3A_482 : f32 to vector<1024x1xf32>
    %add3A_484 = arith.addf %div3A_479, %add3A_483 : vector<1024x1xf32>
    %sqrt3A_485 = math.sqrt %add3A_484 : vector<1024x1xf32>
    %div3A_486 = vector.broadcast %sqrt3A_485 : vector<1024x1xf32> to vector<1024x256xf32>
    %div3A_487 = arith.divf %sub3A_481, %div3A_486 : vector<1024x256xf32>
    %mul3A_488 = vector.broadcast %get3A_461 : vector<1x256xf32> to vector<1024x256xf32>
    %mul3A_489 = arith.mulf %div3A_487, %mul3A_488 : vector<1024x256xf32>
    %add3A_490 = vector.broadcast %get3A_464 : vector<1x256xf32> to vector<1024x256xf32>
    %add3A_491 = arith.addf %mul3A_489, %add3A_490 : vector<1024x256xf32>
    %max3A_492 = arith.constant 0.000000e+00 : f32
    %max3A_493 = vector.broadcast %max3A_492 : f32 to vector<1024x256xf32>
    %max3A_494 = arith.maximumf %add3A_491, %max3A_493 : vector<1024x256xf32>
    %get3A_495 = arith.constant 0 : index
    %get3A_496 = arith.constant 0 : index
    %get3A_497 = vector.load %arg22[%get3A_495, %get3A_496] : memref<256x256xf32, #tpu.memory_space<vmem>>, vector<256x256xf32>
    %dot_general3A_498 = arith.constant dense<0.000000e+00> : vector<1024x256xf32>
    %dot_general3A_499 = tpu.matmul %max3A_445, %get3A_497, %dot_general3A_498 {dimension_numbers = #tpu.dot_dimension_numbers<[1], [0], [0], [1], [0, 0, 1, 1], [], []>, transpose_lhs_hint = false} : vector<1024x256xf32>, vector<256x256xf32>, vector<1024x256xf32> -> vector<1024x256xf32>
    %get3A_500 = arith.constant 0 : index
    %get3A_501 = arith.constant 0 : index
    %get3A_502 = vector.load %arg23[%get3A_500, %get3A_501] : memref<1x256xf32, #tpu.memory_space<vmem>>, vector<1x256xf32>
    %add3A_503 = vector.broadcast %get3A_502 : vector<1x256xf32> to vector<1024x256xf32>
    %add3A_504 = arith.addf %dot_general3A_499, %add3A_503 : vector<1024x256xf32>
    %get3A_505 = arith.constant 0 : index
    %get3A_506 = arith.constant 0 : index
    %get3A_507 = vector.load %arg24[%get3A_505, %get3A_506] : memref<256x256xf32, #tpu.memory_space<vmem>>, vector<256x256xf32>
    %dot_general3A_508 = arith.constant dense<0.000000e+00> : vector<1024x256xf32>
    %dot_general3A_509 = tpu.matmul %max3A_494, %get3A_507, %dot_general3A_508 {dimension_numbers = #tpu.dot_dimension_numbers<[1], [0], [0], [1], [0, 0, 1, 1], [], []>, transpose_lhs_hint = false} : vector<1024x256xf32>, vector<256x256xf32>, vector<1024x256xf32> -> vector<1024x256xf32>
    %get3A_510 = arith.constant 0 : index
    %get3A_511 = arith.constant 0 : index
    %get3A_512 = vector.load %arg25[%get3A_510, %get3A_511] : memref<1x256xf32, #tpu.memory_space<vmem>>, vector<1x256xf32>
    %add3A_513 = vector.broadcast %get3A_512 : vector<1x256xf32> to vector<1024x256xf32>
    %add3A_514 = arith.addf %dot_general3A_509, %add3A_513 : vector<1024x256xf32>
    %get3A_515 = arith.constant 0 : index
    %get3A_516 = arith.constant 0 : index
    %get3A_517 = vector.load %arg5[%get3A_515, %get3A_516] : memref<1024x512xf32, #tpu.memory_space<vmem>>, vector<1024x512xf32>
    %get3A_518 = arith.constant 0 : index
    %get3A_519 = arith.constant 0 : index
    %get3A_520 = vector.load %arg12[%get3A_518, %get3A_519] : memref<512x256xf32, #tpu.memory_space<vmem>>, vector<512x256xf32>
    %dot_general3A_521 = arith.constant dense<0.000000e+00> : vector<1024x256xf32>
    %dot_general3A_522 = tpu.matmul %get3A_517, %get3A_520, %dot_general3A_521 {dimension_numbers = #tpu.dot_dimension_numbers<[1], [0], [0], [1], [0, 0, 1, 1], [], []>, transpose_lhs_hint = false} : vector<1024x512xf32>, vector<512x256xf32>, vector<1024x256xf32> -> vector<1024x256xf32>
    %get3A_523 = arith.constant 0 : index
    %get3A_524 = arith.constant 0 : index
    %get3A_525 = vector.load %arg13[%get3A_523, %get3A_524] : memref<1x256xf32, #tpu.memory_space<vmem>>, vector<1x256xf32>
    %add3A_526 = vector.broadcast %get3A_525 : vector<1x256xf32> to vector<1024x256xf32>
    %add3A_527 = arith.addf %dot_general3A_522, %add3A_526 : vector<1024x256xf32>
    %get3A_528 = arith.constant 0 : index
    %get3A_529 = arith.constant 0 : index
    %get3A_530 = vector.load %arg14[%get3A_528, %get3A_529] : memref<1x256xf32, #tpu.memory_space<vmem>>, vector<1x256xf32>
    %get3A_531 = arith.constant 0 : index
    %get3A_532 = arith.constant 0 : index
    %get3A_533 = vector.load %arg15[%get3A_531, %get3A_532] : memref<1x256xf32, #tpu.memory_space<vmem>>, vector<1x256xf32>
    %reduce_sum3A_534 = arith.constant dense<0.000000e+00> : vector<1024xf32>
    %reduce_sum3A_535 = vector.multi_reduction <add>, %add3A_527, %reduce_sum3A_534 [1] : vector<1024x256xf32> to vector<1024xf32>
    %broadcast_in_dim3A_536 = vector.shape_cast %reduce_sum3A_535 : vector<1024xf32> to vector<1024x1xf32>
    %div3A_537 = arith.constant 2.560000e+02 : f32
    %div3A_538 = vector.broadcast %div3A_537 : f32 to vector<1024x1xf32>
    %div3A_539 = arith.divf %broadcast_in_dim3A_536, %div3A_538 : vector<1024x1xf32>
    %sub3A_540 = vector.broadcast %div3A_539 : vector<1024x1xf32> to vector<1024x256xf32>
    %sub3A_541 = arith.subf %add3A_527, %sub3A_540 : vector<1024x256xf32>
    %integer_pow3A_542 = arith.mulf %sub3A_541, %sub3A_541 : vector<1024x256xf32>
    %reduce_sum3A_543 = arith.constant dense<0.000000e+00> : vector<1024xf32>
    %reduce_sum3A_544 = vector.multi_reduction <add>, %integer_pow3A_542, %reduce_sum3A_543 [1] : vector<1024x256xf32> to vector<1024xf32>
    %broadcast_in_dim3A_545 = vector.shape_cast %reduce_sum3A_544 : vector<1024xf32> to vector<1024x1xf32>
    %div3A_546 = arith.constant 2.560000e+02 : f32
    %div3A_547 = vector.broadcast %div3A_546 : f32 to vector<1024x1xf32>
    %div3A_548 = arith.divf %broadcast_in_dim3A_545, %div3A_547 : vector<1024x1xf32>
    %sub3A_549 = vector.broadcast %div3A_539 : vector<1024x1xf32> to vector<1024x256xf32>
    %sub3A_550 = arith.subf %add3A_527, %sub3A_549 : vector<1024x256xf32>
    %add3A_551 = arith.constant 9.99999974E-6 : f32
    %add3A_552 = vector.broadcast %add3A_551 : f32 to vector<1024x1xf32>
    %add3A_553 = arith.addf %div3A_548, %add3A_552 : vector<1024x1xf32>
    %sqrt3A_554 = math.sqrt %add3A_553 : vector<1024x1xf32>
    %div3A_555 = vector.broadcast %sqrt3A_554 : vector<1024x1xf32> to vector<1024x256xf32>
    %div3A_556 = arith.divf %sub3A_550, %div3A_555 : vector<1024x256xf32>
    %mul3A_557 = vector.broadcast %get3A_530 : vector<1x256xf32> to vector<1024x256xf32>
    %mul3A_558 = arith.mulf %div3A_556, %mul3A_557 : vector<1024x256xf32>
    %add3A_559 = vector.broadcast %get3A_533 : vector<1x256xf32> to vector<1024x256xf32>
    %add3A_560 = arith.addf %mul3A_558, %add3A_559 : vector<1024x256xf32>
    %max3A_561 = arith.constant 0.000000e+00 : f32
    %max3A_562 = vector.broadcast %max3A_561 : f32 to vector<1024x256xf32>
    %max3A_563 = arith.maximumf %add3A_560, %max3A_562 : vector<1024x256xf32>
    %get3A_564 = arith.constant 0 : index
    %get3A_565 = arith.constant 0 : index
    %get3A_566 = vector.load %arg10[%get3A_564, %get3A_565] : memref<1024x256xf32, #tpu.memory_space<vmem>>, vector<1024x256xf32>
    %get3A_567 = arith.constant 0 : index
    %get3A_568 = arith.constant 0 : index
    %get3A_569 = vector.load %arg16[%get3A_567, %get3A_568] : memref<256x256xf32, #tpu.memory_space<vmem>>, vector<256x256xf32>
    %dot_general3A_570 = arith.constant dense<0.000000e+00> : vector<1024x256xf32>
    %dot_general3A_571 = tpu.matmul %get3A_566, %get3A_569, %dot_general3A_570 {dimension_numbers = #tpu.dot_dimension_numbers<[1], [0], [0], [1], [0, 0, 1, 1], [], []>, transpose_lhs_hint = false} : vector<1024x256xf32>, vector<256x256xf32>, vector<1024x256xf32> -> vector<1024x256xf32>
    %get3A_572 = arith.constant 0 : index
    %get3A_573 = arith.constant 0 : index
    %get3A_574 = vector.load %arg17[%get3A_572, %get3A_573] : memref<1x256xf32, #tpu.memory_space<vmem>>, vector<1x256xf32>
    %add3A_575 = vector.broadcast %get3A_574 : vector<1x256xf32> to vector<1024x256xf32>
    %add3A_576 = arith.addf %dot_general3A_571, %add3A_575 : vector<1024x256xf32>
    %get3A_577 = arith.constant 0 : index
    %get3A_578 = arith.constant 0 : index
    %get3A_579 = vector.load %arg18[%get3A_577, %get3A_578] : memref<1x256xf32, #tpu.memory_space<vmem>>, vector<1x256xf32>
    %get3A_580 = arith.constant 0 : index
    %get3A_581 = arith.constant 0 : index
    %get3A_582 = vector.load %arg19[%get3A_580, %get3A_581] : memref<1x256xf32, #tpu.memory_space<vmem>>, vector<1x256xf32>
    %reduce_sum3A_583 = arith.constant dense<0.000000e+00> : vector<1024xf32>
    %reduce_sum3A_584 = vector.multi_reduction <add>, %add3A_576, %reduce_sum3A_583 [1] : vector<1024x256xf32> to vector<1024xf32>
    %broadcast_in_dim3A_585 = vector.shape_cast %reduce_sum3A_584 : vector<1024xf32> to vector<1024x1xf32>
    %div3A_586 = arith.constant 2.560000e+02 : f32
    %div3A_587 = vector.broadcast %div3A_586 : f32 to vector<1024x1xf32>
    %div3A_588 = arith.divf %broadcast_in_dim3A_585, %div3A_587 : vector<1024x1xf32>
    %sub3A_589 = vector.broadcast %div3A_588 : vector<1024x1xf32> to vector<1024x256xf32>
    %sub3A_590 = arith.subf %add3A_576, %sub3A_589 : vector<1024x256xf32>
    %integer_pow3A_591 = arith.mulf %sub3A_590, %sub3A_590 : vector<1024x256xf32>
    %reduce_sum3A_592 = arith.constant dense<0.000000e+00> : vector<1024xf32>
    %reduce_sum3A_593 = vector.multi_reduction <add>, %integer_pow3A_591, %reduce_sum3A_592 [1] : vector<1024x256xf32> to vector<1024xf32>
    %broadcast_in_dim3A_594 = vector.shape_cast %reduce_sum3A_593 : vector<1024xf32> to vector<1024x1xf32>
    %div3A_595 = arith.constant 2.560000e+02 : f32
    %div3A_596 = vector.broadcast %div3A_595 : f32 to vector<1024x1xf32>
    %div3A_597 = arith.divf %broadcast_in_dim3A_594, %div3A_596 : vector<1024x1xf32>
    %sub3A_598 = vector.broadcast %div3A_588 : vector<1024x1xf32> to vector<1024x256xf32>
    %sub3A_599 = arith.subf %add3A_576, %sub3A_598 : vector<1024x256xf32>
    %add3A_600 = arith.constant 9.99999974E-6 : f32
    %add3A_601 = vector.broadcast %add3A_600 : f32 to vector<1024x1xf32>
    %add3A_602 = arith.addf %div3A_597, %add3A_601 : vector<1024x1xf32>
    %sqrt3A_603 = math.sqrt %add3A_602 : vector<1024x1xf32>
    %div3A_604 = vector.broadcast %sqrt3A_603 : vector<1024x1xf32> to vector<1024x256xf32>
    %div3A_605 = arith.divf %sub3A_599, %div3A_604 : vector<1024x256xf32>
    %mul3A_606 = vector.broadcast %get3A_579 : vector<1x256xf32> to vector<1024x256xf32>
    %mul3A_607 = arith.mulf %div3A_605, %mul3A_606 : vector<1024x256xf32>
    %add3A_608 = vector.broadcast %get3A_582 : vector<1x256xf32> to vector<1024x256xf32>
    %add3A_609 = arith.addf %mul3A_607, %add3A_608 : vector<1024x256xf32>
    %max3A_610 = arith.constant 0.000000e+00 : f32
    %max3A_611 = vector.broadcast %max3A_610 : f32 to vector<1024x256xf32>
    %max3A_612 = arith.maximumf %add3A_609, %max3A_611 : vector<1024x256xf32>
    %get3A_613 = arith.constant 0 : index
    %get3A_614 = arith.constant 0 : index
    %get3A_615 = vector.load %arg22[%get3A_613, %get3A_614] : memref<256x256xf32, #tpu.memory_space<vmem>>, vector<256x256xf32>
    %dot_general3A_616 = arith.constant dense<0.000000e+00> : vector<1024x256xf32>
    %dot_general3A_617 = tpu.matmul %max3A_563, %get3A_615, %dot_general3A_616 {dimension_numbers = #tpu.dot_dimension_numbers<[1], [0], [0], [1], [0, 0, 1, 1], [], []>, transpose_lhs_hint = false} : vector<1024x256xf32>, vector<256x256xf32>, vector<1024x256xf32> -> vector<1024x256xf32>
    %get3A_618 = arith.constant 0 : index
    %get3A_619 = arith.constant 0 : index
    %get3A_620 = vector.load %arg23[%get3A_618, %get3A_619] : memref<1x256xf32, #tpu.memory_space<vmem>>, vector<1x256xf32>
    %add3A_621 = vector.broadcast %get3A_620 : vector<1x256xf32> to vector<1024x256xf32>
    %add3A_622 = arith.addf %dot_general3A_617, %add3A_621 : vector<1024x256xf32>
    %get3A_623 = arith.constant 0 : index
    %get3A_624 = arith.constant 0 : index
    %get3A_625 = vector.load %arg24[%get3A_623, %get3A_624] : memref<256x256xf32, #tpu.memory_space<vmem>>, vector<256x256xf32>
    %dot_general3A_626 = arith.constant dense<0.000000e+00> : vector<1024x256xf32>
    %dot_general3A_627 = tpu.matmul %max3A_612, %get3A_625, %dot_general3A_626 {dimension_numbers = #tpu.dot_dimension_numbers<[1], [0], [0], [1], [0, 0, 1, 1], [], []>, transpose_lhs_hint = false} : vector<1024x256xf32>, vector<256x256xf32>, vector<1024x256xf32> -> vector<1024x256xf32>
    %get3A_628 = arith.constant 0 : index
    %get3A_629 = arith.constant 0 : index
    %get3A_630 = vector.load %arg25[%get3A_628, %get3A_629] : memref<1x256xf32, #tpu.memory_space<vmem>>, vector<1x256xf32>
    %add3A_631 = vector.broadcast %get3A_630 : vector<1x256xf32> to vector<1024x256xf32>
    %add3A_632 = arith.addf %dot_general3A_627, %add3A_631 : vector<1024x256xf32>
    %get3A_633 = arith.constant 0 : index
    %get3A_634 = arith.constant 0 : index
    %get3A_635 = vector.load %arg6[%get3A_633, %get3A_634] : memref<1024x512xf32, #tpu.memory_space<vmem>>, vector<1024x512xf32>
    %get3A_636 = arith.constant 0 : index
    %get3A_637 = arith.constant 0 : index
    %get3A_638 = vector.load %arg12[%get3A_636, %get3A_637] : memref<512x256xf32, #tpu.memory_space<vmem>>, vector<512x256xf32>
    %dot_general3A_639 = arith.constant dense<0.000000e+00> : vector<1024x256xf32>
    %dot_general3A_640 = tpu.matmul %get3A_635, %get3A_638, %dot_general3A_639 {dimension_numbers = #tpu.dot_dimension_numbers<[1], [0], [0], [1], [0, 0, 1, 1], [], []>, transpose_lhs_hint = false} : vector<1024x512xf32>, vector<512x256xf32>, vector<1024x256xf32> -> vector<1024x256xf32>
    %get3A_641 = arith.constant 0 : index
    %get3A_642 = arith.constant 0 : index
    %get3A_643 = vector.load %arg13[%get3A_641, %get3A_642] : memref<1x256xf32, #tpu.memory_space<vmem>>, vector<1x256xf32>
    %add3A_644 = vector.broadcast %get3A_643 : vector<1x256xf32> to vector<1024x256xf32>
    %add3A_645 = arith.addf %dot_general3A_640, %add3A_644 : vector<1024x256xf32>
    %get3A_646 = arith.constant 0 : index
    %get3A_647 = arith.constant 0 : index
    %get3A_648 = vector.load %arg14[%get3A_646, %get3A_647] : memref<1x256xf32, #tpu.memory_space<vmem>>, vector<1x256xf32>
    %get3A_649 = arith.constant 0 : index
    %get3A_650 = arith.constant 0 : index
    %get3A_651 = vector.load %arg15[%get3A_649, %get3A_650] : memref<1x256xf32, #tpu.memory_space<vmem>>, vector<1x256xf32>
    %reduce_sum3A_652 = arith.constant dense<0.000000e+00> : vector<1024xf32>
    %reduce_sum3A_653 = vector.multi_reduction <add>, %add3A_645, %reduce_sum3A_652 [1] : vector<1024x256xf32> to vector<1024xf32>
    %broadcast_in_dim3A_654 = vector.shape_cast %reduce_sum3A_653 : vector<1024xf32> to vector<1024x1xf32>
    %div3A_655 = arith.constant 2.560000e+02 : f32
    %div3A_656 = vector.broadcast %div3A_655 : f32 to vector<1024x1xf32>
    %div3A_657 = arith.divf %broadcast_in_dim3A_654, %div3A_656 : vector<1024x1xf32>
    %sub3A_658 = vector.broadcast %div3A_657 : vector<1024x1xf32> to vector<1024x256xf32>
    %sub3A_659 = arith.subf %add3A_645, %sub3A_658 : vector<1024x256xf32>
    %integer_pow3A_660 = arith.mulf %sub3A_659, %sub3A_659 : vector<1024x256xf32>
    %reduce_sum3A_661 = arith.constant dense<0.000000e+00> : vector<1024xf32>
    %reduce_sum3A_662 = vector.multi_reduction <add>, %integer_pow3A_660, %reduce_sum3A_661 [1] : vector<1024x256xf32> to vector<1024xf32>
    %broadcast_in_dim3A_663 = vector.shape_cast %reduce_sum3A_662 : vector<1024xf32> to vector<1024x1xf32>
    %div3A_664 = arith.constant 2.560000e+02 : f32
    %div3A_665 = vector.broadcast %div3A_664 : f32 to vector<1024x1xf32>
    %div3A_666 = arith.divf %broadcast_in_dim3A_663, %div3A_665 : vector<1024x1xf32>
    %sub3A_667 = vector.broadcast %div3A_657 : vector<1024x1xf32> to vector<1024x256xf32>
    %sub3A_668 = arith.subf %add3A_645, %sub3A_667 : vector<1024x256xf32>
    %add3A_669 = arith.constant 9.99999974E-6 : f32
    %add3A_670 = vector.broadcast %add3A_669 : f32 to vector<1024x1xf32>
    %add3A_671 = arith.addf %div3A_666, %add3A_670 : vector<1024x1xf32>
    %sqrt3A_672 = math.sqrt %add3A_671 : vector<1024x1xf32>
    %div3A_673 = vector.broadcast %sqrt3A_672 : vector<1024x1xf32> to vector<1024x256xf32>
    %div3A_674 = arith.divf %sub3A_668, %div3A_673 : vector<1024x256xf32>
    %mul3A_675 = vector.broadcast %get3A_648 : vector<1x256xf32> to vector<1024x256xf32>
    %mul3A_676 = arith.mulf %div3A_674, %mul3A_675 : vector<1024x256xf32>
    %add3A_677 = vector.broadcast %get3A_651 : vector<1x256xf32> to vector<1024x256xf32>
    %add3A_678 = arith.addf %mul3A_676, %add3A_677 : vector<1024x256xf32>
    %max3A_679 = arith.constant 0.000000e+00 : f32
    %max3A_680 = vector.broadcast %max3A_679 : f32 to vector<1024x256xf32>
    %max3A_681 = arith.maximumf %add3A_678, %max3A_680 : vector<1024x256xf32>
    %get3A_682 = arith.constant 0 : index
    %get3A_683 = arith.constant 0 : index
    %get3A_684 = vector.load %arg11[%get3A_682, %get3A_683] : memref<1024x256xf32, #tpu.memory_space<vmem>>, vector<1024x256xf32>
    %get3A_685 = arith.constant 0 : index
    %get3A_686 = arith.constant 0 : index
    %get3A_687 = vector.load %arg16[%get3A_685, %get3A_686] : memref<256x256xf32, #tpu.memory_space<vmem>>, vector<256x256xf32>
    %dot_general3A_688 = arith.constant dense<0.000000e+00> : vector<1024x256xf32>
    %dot_general3A_689 = tpu.matmul %get3A_684, %get3A_687, %dot_general3A_688 {dimension_numbers = #tpu.dot_dimension_numbers<[1], [0], [0], [1], [0, 0, 1, 1], [], []>, transpose_lhs_hint = false} : vector<1024x256xf32>, vector<256x256xf32>, vector<1024x256xf32> -> vector<1024x256xf32>
    %get3A_690 = arith.constant 0 : index
    %get3A_691 = arith.constant 0 : index
    %get3A_692 = vector.load %arg17[%get3A_690, %get3A_691] : memref<1x256xf32, #tpu.memory_space<vmem>>, vector<1x256xf32>
    %add3A_693 = vector.broadcast %get3A_692 : vector<1x256xf32> to vector<1024x256xf32>
    %add3A_694 = arith.addf %dot_general3A_689, %add3A_693 : vector<1024x256xf32>
    %get3A_695 = arith.constant 0 : index
    %get3A_696 = arith.constant 0 : index
    %get3A_697 = vector.load %arg18[%get3A_695, %get3A_696] : memref<1x256xf32, #tpu.memory_space<vmem>>, vector<1x256xf32>
    %get3A_698 = arith.constant 0 : index
    %get3A_699 = arith.constant 0 : index
    %get3A_700 = vector.load %arg19[%get3A_698, %get3A_699] : memref<1x256xf32, #tpu.memory_space<vmem>>, vector<1x256xf32>
    %reduce_sum3A_701 = arith.constant dense<0.000000e+00> : vector<1024xf32>
    %reduce_sum3A_702 = vector.multi_reduction <add>, %add3A_694, %reduce_sum3A_701 [1] : vector<1024x256xf32> to vector<1024xf32>
    %broadcast_in_dim3A_703 = vector.shape_cast %reduce_sum3A_702 : vector<1024xf32> to vector<1024x1xf32>
    %div3A_704 = arith.constant 2.560000e+02 : f32
    %div3A_705 = vector.broadcast %div3A_704 : f32 to vector<1024x1xf32>
    %div3A_706 = arith.divf %broadcast_in_dim3A_703, %div3A_705 : vector<1024x1xf32>
    %sub3A_707 = vector.broadcast %div3A_706 : vector<1024x1xf32> to vector<1024x256xf32>
    %sub3A_708 = arith.subf %add3A_694, %sub3A_707 : vector<1024x256xf32>
    %integer_pow3A_709 = arith.mulf %sub3A_708, %sub3A_708 : vector<1024x256xf32>
    %reduce_sum3A_710 = arith.constant dense<0.000000e+00> : vector<1024xf32>
    %reduce_sum3A_711 = vector.multi_reduction <add>, %integer_pow3A_709, %reduce_sum3A_710 [1] : vector<1024x256xf32> to vector<1024xf32>
    %broadcast_in_dim3A_712 = vector.shape_cast %reduce_sum3A_711 : vector<1024xf32> to vector<1024x1xf32>
    %div3A_713 = arith.constant 2.560000e+02 : f32
    %div3A_714 = vector.broadcast %div3A_713 : f32 to vector<1024x1xf32>
    %div3A_715 = arith.divf %broadcast_in_dim3A_712, %div3A_714 : vector<1024x1xf32>
    %sub3A_716 = vector.broadcast %div3A_706 : vector<1024x1xf32> to vector<1024x256xf32>
    %sub3A_717 = arith.subf %add3A_694, %sub3A_716 : vector<1024x256xf32>
    %add3A_718 = arith.constant 9.99999974E-6 : f32
    %add3A_719 = vector.broadcast %add3A_718 : f32 to vector<1024x1xf32>
    %add3A_720 = arith.addf %div3A_715, %add3A_719 : vector<1024x1xf32>
    %sqrt3A_721 = math.sqrt %add3A_720 : vector<1024x1xf32>
    %div3A_722 = vector.broadcast %sqrt3A_721 : vector<1024x1xf32> to vector<1024x256xf32>
    %div3A_723 = arith.divf %sub3A_717, %div3A_722 : vector<1024x256xf32>
    %mul3A_724 = vector.broadcast %get3A_697 : vector<1x256xf32> to vector<1024x256xf32>
    %mul3A_725 = arith.mulf %div3A_723, %mul3A_724 : vector<1024x256xf32>
    %add3A_726 = vector.broadcast %get3A_700 : vector<1x256xf32> to vector<1024x256xf32>
    %add3A_727 = arith.addf %mul3A_725, %add3A_726 : vector<1024x256xf32>
    %max3A_728 = arith.constant 0.000000e+00 : f32
    %max3A_729 = vector.broadcast %max3A_728 : f32 to vector<1024x256xf32>
    %max3A_730 = arith.maximumf %add3A_727, %max3A_729 : vector<1024x256xf32>
    %get3A_731 = arith.constant 0 : index
    %get3A_732 = arith.constant 0 : index
    %get3A_733 = vector.load %arg22[%get3A_731, %get3A_732] : memref<256x256xf32, #tpu.memory_space<vmem>>, vector<256x256xf32>
    %dot_general3A_734 = arith.constant dense<0.000000e+00> : vector<1024x256xf32>
    %dot_general3A_735 = tpu.matmul %max3A_681, %get3A_733, %dot_general3A_734 {dimension_numbers = #tpu.dot_dimension_numbers<[1], [0], [0], [1], [0, 0, 1, 1], [], []>, transpose_lhs_hint = false} : vector<1024x256xf32>, vector<256x256xf32>, vector<1024x256xf32> -> vector<1024x256xf32>
    %get3A_736 = arith.constant 0 : index
    %get3A_737 = arith.constant 0 : index
    %get3A_738 = vector.load %arg23[%get3A_736, %get3A_737] : memref<1x256xf32, #tpu.memory_space<vmem>>, vector<1x256xf32>
    %add3A_739 = vector.broadcast %get3A_738 : vector<1x256xf32> to vector<1024x256xf32>
    %add3A_740 = arith.addf %dot_general3A_735, %add3A_739 : vector<1024x256xf32>
    %get3A_741 = arith.constant 0 : index
    %get3A_742 = arith.constant 0 : index
    %get3A_743 = vector.load %arg24[%get3A_741, %get3A_742] : memref<256x256xf32, #tpu.memory_space<vmem>>, vector<256x256xf32>
    %dot_general3A_744 = arith.constant dense<0.000000e+00> : vector<1024x256xf32>
    %dot_general3A_745 = tpu.matmul %max3A_730, %get3A_743, %dot_general3A_744 {dimension_numbers = #tpu.dot_dimension_numbers<[1], [0], [0], [1], [0, 0, 1, 1], [], []>, transpose_lhs_hint = false} : vector<1024x256xf32>, vector<256x256xf32>, vector<1024x256xf32> -> vector<1024x256xf32>
    %get3A_746 = arith.constant 0 : index
    %get3A_747 = arith.constant 0 : index
    %get3A_748 = vector.load %arg25[%get3A_746, %get3A_747] : memref<1x256xf32, #tpu.memory_space<vmem>>, vector<1x256xf32>
    %add3A_749 = vector.broadcast %get3A_748 : vector<1x256xf32> to vector<1024x256xf32>
    %add3A_750 = arith.addf %dot_general3A_745, %add3A_749 : vector<1024x256xf32>
    %mul3A_751 = arith.mulf %add3A_146, %add3A_156 : vector<1024x256xf32>
    %mul3A_752 = arith.mulf %mul3A_751, %convert_element_type3A_30 : vector<1024x256xf32>
    %reduce_sum3A_753 = arith.constant dense<0.000000e+00> : vector<1024xf32>
    %reduce_sum3A_754 = vector.multi_reduction <add>, %mul3A_752, %reduce_sum3A_753 [1] : vector<1024x256xf32> to vector<1024xf32>
    %broadcast_in_dim3A_755 = vector.shape_cast %reduce_sum3A_754 : vector<1024xf32> to vector<1024x1xf32>
    %mul3A_756 = arith.mulf %mul3A_751, %convert_element_type3A_66 : vector<1024x256xf32>
    %reduce_sum3A_757 = arith.constant dense<0.000000e+00> : vector<1024xf32>
    %reduce_sum3A_758 = vector.multi_reduction <add>, %mul3A_756, %reduce_sum3A_757 [1] : vector<1024x256xf32> to vector<1024xf32>
    %broadcast_in_dim3A_759 = vector.shape_cast %reduce_sum3A_758 : vector<1024xf32> to vector<1024x1xf32>
    %mul3A_760 = arith.mulf %mul3A_751, %convert_element_type3A_102 : vector<1024x256xf32>
    %reduce_sum3A_761 = arith.constant dense<0.000000e+00> : vector<1024xf32>
    %reduce_sum3A_762 = vector.multi_reduction <add>, %mul3A_760, %reduce_sum3A_761 [1] : vector<1024x256xf32> to vector<1024xf32>
    %broadcast_in_dim3A_763 = vector.shape_cast %reduce_sum3A_762 : vector<1024xf32> to vector<1024x1xf32>
    %mul3A_764 = arith.mulf %mul3A_751, %convert_element_type3A_138 : vector<1024x256xf32>
    %reduce_sum3A_765 = arith.constant dense<0.000000e+00> : vector<1024xf32>
    %reduce_sum3A_766 = vector.multi_reduction <add>, %mul3A_764, %reduce_sum3A_765 [1] : vector<1024x256xf32> to vector<1024xf32>
    %broadcast_in_dim3A_767 = vector.shape_cast %reduce_sum3A_766 : vector<1024xf32> to vector<1024x1xf32>
    %concatenate3A = tpu.concatenate %broadcast_in_dim3A_755, %broadcast_in_dim3A_759, %broadcast_in_dim3A_763, %broadcast_in_dim3A_767 in 1 : vector<1024x1xf32>, vector<1024x1xf32>, vector<1024x1xf32>, vector<1024x1xf32> -> vector<1024x4xf32>
    %div3A_768 = arith.constant 8.000000e+00 : f32
    %div3A_769 = vector.broadcast %div3A_768 : f32 to vector<1024x4xf32>
    %div3A_770 = arith.divf %concatenate3A, %div3A_769 : vector<1024x4xf32>
    %mul3A_771 = arith.mulf %add3A_146, %add3A_268 : vector<1024x256xf32>
    %mul3A_772 = arith.mulf %mul3A_771, %convert_element_type3A_30 : vector<1024x256xf32>
    %reduce_sum3A_773 = arith.constant dense<0.000000e+00> : vector<1024xf32>
    %reduce_sum3A_774 = vector.multi_reduction <add>, %mul3A_772, %reduce_sum3A_773 [1] : vector<1024x256xf32> to vector<1024xf32>
    %broadcast_in_dim3A_775 = vector.shape_cast %reduce_sum3A_774 : vector<1024xf32> to vector<1024x1xf32>
    %mul3A_776 = arith.mulf %mul3A_771, %convert_element_type3A_66 : vector<1024x256xf32>
    %reduce_sum3A_777 = arith.constant dense<0.000000e+00> : vector<1024xf32>
    %reduce_sum3A_778 = vector.multi_reduction <add>, %mul3A_776, %reduce_sum3A_777 [1] : vector<1024x256xf32> to vector<1024xf32>
    %broadcast_in_dim3A_779 = vector.shape_cast %reduce_sum3A_778 : vector<1024xf32> to vector<1024x1xf32>
    %mul3A_780 = arith.mulf %mul3A_771, %convert_element_type3A_102 : vector<1024x256xf32>
    %reduce_sum3A_781 = arith.constant dense<0.000000e+00> : vector<1024xf32>
    %reduce_sum3A_782 = vector.multi_reduction <add>, %mul3A_780, %reduce_sum3A_781 [1] : vector<1024x256xf32> to vector<1024xf32>
    %broadcast_in_dim3A_783 = vector.shape_cast %reduce_sum3A_782 : vector<1024xf32> to vector<1024x1xf32>
    %mul3A_784 = arith.mulf %mul3A_771, %convert_element_type3A_138 : vector<1024x256xf32>
    %reduce_sum3A_785 = arith.constant dense<0.000000e+00> : vector<1024xf32>
    %reduce_sum3A_786 = vector.multi_reduction <add>, %mul3A_784, %reduce_sum3A_785 [1] : vector<1024x256xf32> to vector<1024xf32>
    %broadcast_in_dim3A_787 = vector.shape_cast %reduce_sum3A_786 : vector<1024xf32> to vector<1024x1xf32>
    %concatenate3A_788 = tpu.concatenate %broadcast_in_dim3A_775, %broadcast_in_dim3A_779, %broadcast_in_dim3A_783, %broadcast_in_dim3A_787 in 1 : vector<1024x1xf32>, vector<1024x1xf32>, vector<1024x1xf32>, vector<1024x1xf32> -> vector<1024x4xf32>
    %div3A_789 = arith.constant 8.000000e+00 : f32
    %div3A_790 = vector.broadcast %div3A_789 : f32 to vector<1024x4xf32>
    %div3A_791 = arith.divf %concatenate3A_788, %div3A_790 : vector<1024x4xf32>
    %mul3A_792 = arith.mulf %add3A_146, %add3A_386 : vector<1024x256xf32>
    %mul3A_793 = arith.mulf %mul3A_792, %convert_element_type3A_30 : vector<1024x256xf32>
    %reduce_sum3A_794 = arith.constant dense<0.000000e+00> : vector<1024xf32>
    %reduce_sum3A_795 = vector.multi_reduction <add>, %mul3A_793, %reduce_sum3A_794 [1] : vector<1024x256xf32> to vector<1024xf32>
    %broadcast_in_dim3A_796 = vector.shape_cast %reduce_sum3A_795 : vector<1024xf32> to vector<1024x1xf32>
    %mul3A_797 = arith.mulf %mul3A_792, %convert_element_type3A_66 : vector<1024x256xf32>
    %reduce_sum3A_798 = arith.constant dense<0.000000e+00> : vector<1024xf32>
    %reduce_sum3A_799 = vector.multi_reduction <add>, %mul3A_797, %reduce_sum3A_798 [1] : vector<1024x256xf32> to vector<1024xf32>
    %broadcast_in_dim3A_800 = vector.shape_cast %reduce_sum3A_799 : vector<1024xf32> to vector<1024x1xf32>
    %mul3A_801 = arith.mulf %mul3A_792, %convert_element_type3A_102 : vector<1024x256xf32>
    %reduce_sum3A_802 = arith.constant dense<0.000000e+00> : vector<1024xf32>
    %reduce_sum3A_803 = vector.multi_reduction <add>, %mul3A_801, %reduce_sum3A_802 [1] : vector<1024x256xf32> to vector<1024xf32>
    %broadcast_in_dim3A_804 = vector.shape_cast %reduce_sum3A_803 : vector<1024xf32> to vector<1024x1xf32>
    %mul3A_805 = arith.mulf %mul3A_792, %convert_element_type3A_138 : vector<1024x256xf32>
    %reduce_sum3A_806 = arith.constant dense<0.000000e+00> : vector<1024xf32>
    %reduce_sum3A_807 = vector.multi_reduction <add>, %mul3A_805, %reduce_sum3A_806 [1] : vector<1024x256xf32> to vector<1024xf32>
    %broadcast_in_dim3A_808 = vector.shape_cast %reduce_sum3A_807 : vector<1024xf32> to vector<1024x1xf32>
    %concatenate3A_809 = tpu.concatenate %broadcast_in_dim3A_796, %broadcast_in_dim3A_800, %broadcast_in_dim3A_804, %broadcast_in_dim3A_808 in 1 : vector<1024x1xf32>, vector<1024x1xf32>, vector<1024x1xf32>, vector<1024x1xf32> -> vector<1024x4xf32>
    %div3A_810 = arith.constant 8.000000e+00 : f32
    %div3A_811 = vector.broadcast %div3A_810 : f32 to vector<1024x4xf32>
    %div3A_812 = arith.divf %concatenate3A_809, %div3A_811 : vector<1024x4xf32>
    %mul3A_813 = arith.mulf %add3A_146, %add3A_504 : vector<1024x256xf32>
    %mul3A_814 = arith.mulf %mul3A_813, %convert_element_type3A_30 : vector<1024x256xf32>
    %reduce_sum3A_815 = arith.constant dense<0.000000e+00> : vector<1024xf32>
    %reduce_sum3A_816 = vector.multi_reduction <add>, %mul3A_814, %reduce_sum3A_815 [1] : vector<1024x256xf32> to vector<1024xf32>
    %broadcast_in_dim3A_817 = vector.shape_cast %reduce_sum3A_816 : vector<1024xf32> to vector<1024x1xf32>
    %mul3A_818 = arith.mulf %mul3A_813, %convert_element_type3A_66 : vector<1024x256xf32>
    %reduce_sum3A_819 = arith.constant dense<0.000000e+00> : vector<1024xf32>
    %reduce_sum3A_820 = vector.multi_reduction <add>, %mul3A_818, %reduce_sum3A_819 [1] : vector<1024x256xf32> to vector<1024xf32>
    %broadcast_in_dim3A_821 = vector.shape_cast %reduce_sum3A_820 : vector<1024xf32> to vector<1024x1xf32>
    %mul3A_822 = arith.mulf %mul3A_813, %convert_element_type3A_102 : vector<1024x256xf32>
    %reduce_sum3A_823 = arith.constant dense<0.000000e+00> : vector<1024xf32>
    %reduce_sum3A_824 = vector.multi_reduction <add>, %mul3A_822, %reduce_sum3A_823 [1] : vector<1024x256xf32> to vector<1024xf32>
    %broadcast_in_dim3A_825 = vector.shape_cast %reduce_sum3A_824 : vector<1024xf32> to vector<1024x1xf32>
    %mul3A_826 = arith.mulf %mul3A_813, %convert_element_type3A_138 : vector<1024x256xf32>
    %reduce_sum3A_827 = arith.constant dense<0.000000e+00> : vector<1024xf32>
    %reduce_sum3A_828 = vector.multi_reduction <add>, %mul3A_826, %reduce_sum3A_827 [1] : vector<1024x256xf32> to vector<1024xf32>
    %broadcast_in_dim3A_829 = vector.shape_cast %reduce_sum3A_828 : vector<1024xf32> to vector<1024x1xf32>
    %concatenate3A_830 = tpu.concatenate %broadcast_in_dim3A_817, %broadcast_in_dim3A_821, %broadcast_in_dim3A_825, %broadcast_in_dim3A_829 in 1 : vector<1024x1xf32>, vector<1024x1xf32>, vector<1024x1xf32>, vector<1024x1xf32> -> vector<1024x4xf32>
    %div3A_831 = arith.constant 8.000000e+00 : f32
    %div3A_832 = vector.broadcast %div3A_831 : f32 to vector<1024x4xf32>
    %div3A_833 = arith.divf %concatenate3A_830, %div3A_832 : vector<1024x4xf32>
    %mul3A_834 = arith.mulf %add3A_146, %add3A_622 : vector<1024x256xf32>
    %mul3A_835 = arith.mulf %mul3A_834, %convert_element_type3A_30 : vector<1024x256xf32>
    %reduce_sum3A_836 = arith.constant dense<0.000000e+00> : vector<1024xf32>
    %reduce_sum3A_837 = vector.multi_reduction <add>, %mul3A_835, %reduce_sum3A_836 [1] : vector<1024x256xf32> to vector<1024xf32>
    %broadcast_in_dim3A_838 = vector.shape_cast %reduce_sum3A_837 : vector<1024xf32> to vector<1024x1xf32>
    %mul3A_839 = arith.mulf %mul3A_834, %convert_element_type3A_66 : vector<1024x256xf32>
    %reduce_sum3A_840 = arith.constant dense<0.000000e+00> : vector<1024xf32>
    %reduce_sum3A_841 = vector.multi_reduction <add>, %mul3A_839, %reduce_sum3A_840 [1] : vector<1024x256xf32> to vector<1024xf32>
    %broadcast_in_dim3A_842 = vector.shape_cast %reduce_sum3A_841 : vector<1024xf32> to vector<1024x1xf32>
    %mul3A_843 = arith.mulf %mul3A_834, %convert_element_type3A_102 : vector<1024x256xf32>
    %reduce_sum3A_844 = arith.constant dense<0.000000e+00> : vector<1024xf32>
    %reduce_sum3A_845 = vector.multi_reduction <add>, %mul3A_843, %reduce_sum3A_844 [1] : vector<1024x256xf32> to vector<1024xf32>
    %broadcast_in_dim3A_846 = vector.shape_cast %reduce_sum3A_845 : vector<1024xf32> to vector<1024x1xf32>
    %mul3A_847 = arith.mulf %mul3A_834, %convert_element_type3A_138 : vector<1024x256xf32>
    %reduce_sum3A_848 = arith.constant dense<0.000000e+00> : vector<1024xf32>
    %reduce_sum3A_849 = vector.multi_reduction <add>, %mul3A_847, %reduce_sum3A_848 [1] : vector<1024x256xf32> to vector<1024xf32>
    %broadcast_in_dim3A_850 = vector.shape_cast %reduce_sum3A_849 : vector<1024xf32> to vector<1024x1xf32>
    %concatenate3A_851 = tpu.concatenate %broadcast_in_dim3A_838, %broadcast_in_dim3A_842, %broadcast_in_dim3A_846, %broadcast_in_dim3A_850 in 1 : vector<1024x1xf32>, vector<1024x1xf32>, vector<1024x1xf32>, vector<1024x1xf32> -> vector<1024x4xf32>
    %div3A_852 = arith.constant 8.000000e+00 : f32
    %div3A_853 = vector.broadcast %div3A_852 : f32 to vector<1024x4xf32>
    %div3A_854 = arith.divf %concatenate3A_851, %div3A_853 : vector<1024x4xf32>
    %mul3A_855 = arith.mulf %add3A_146, %add3A_740 : vector<1024x256xf32>
    %mul3A_856 = arith.mulf %mul3A_855, %convert_element_type3A_30 : vector<1024x256xf32>
    %reduce_sum3A_857 = arith.constant dense<0.000000e+00> : vector<1024xf32>
    %reduce_sum3A_858 = vector.multi_reduction <add>, %mul3A_856, %reduce_sum3A_857 [1] : vector<1024x256xf32> to vector<1024xf32>
    %broadcast_in_dim3A_859 = vector.shape_cast %reduce_sum3A_858 : vector<1024xf32> to vector<1024x1xf32>
    %mul3A_860 = arith.mulf %mul3A_855, %convert_element_type3A_66 : vector<1024x256xf32>
    %reduce_sum3A_861 = arith.constant dense<0.000000e+00> : vector<1024xf32>
    %reduce_sum3A_862 = vector.multi_reduction <add>, %mul3A_860, %reduce_sum3A_861 [1] : vector<1024x256xf32> to vector<1024xf32>
    %broadcast_in_dim3A_863 = vector.shape_cast %reduce_sum3A_862 : vector<1024xf32> to vector<1024x1xf32>
    %mul3A_864 = arith.mulf %mul3A_855, %convert_element_type3A_102 : vector<1024x256xf32>
    %reduce_sum3A_865 = arith.constant dense<0.000000e+00> : vector<1024xf32>
    %reduce_sum3A_866 = vector.multi_reduction <add>, %mul3A_864, %reduce_sum3A_865 [1] : vector<1024x256xf32> to vector<1024xf32>
    %broadcast_in_dim3A_867 = vector.shape_cast %reduce_sum3A_866 : vector<1024xf32> to vector<1024x1xf32>
    %mul3A_868 = arith.mulf %mul3A_855, %convert_element_type3A_138 : vector<1024x256xf32>
    %reduce_sum3A_869 = arith.constant dense<0.000000e+00> : vector<1024xf32>
    %reduce_sum3A_870 = vector.multi_reduction <add>, %mul3A_868, %reduce_sum3A_869 [1] : vector<1024x256xf32> to vector<1024xf32>
    %broadcast_in_dim3A_871 = vector.shape_cast %reduce_sum3A_870 : vector<1024xf32> to vector<1024x1xf32>
    %concatenate3A_872 = tpu.concatenate %broadcast_in_dim3A_859, %broadcast_in_dim3A_863, %broadcast_in_dim3A_867, %broadcast_in_dim3A_871 in 1 : vector<1024x1xf32>, vector<1024x1xf32>, vector<1024x1xf32>, vector<1024x1xf32> -> vector<1024x4xf32>
    %div3A_873 = arith.constant 8.000000e+00 : f32
    %div3A_874 = vector.broadcast %div3A_873 : f32 to vector<1024x4xf32>
    %div3A_875 = arith.divf %concatenate3A_872, %div3A_874 : vector<1024x4xf32>
    %max3A_876 = arith.maximumf %div3A_770, %div3A_791 : vector<1024x4xf32>
    %max3A_877 = arith.maximumf %max3A_876, %div3A_812 : vector<1024x4xf32>
    %max3A_878 = arith.maximumf %max3A_877, %div3A_833 : vector<1024x4xf32>
    %max3A_879 = arith.maximumf %max3A_878, %div3A_854 : vector<1024x4xf32>
    %max3A_880 = arith.maximumf %max3A_879, %div3A_875 : vector<1024x4xf32>
    %sub3A_881 = arith.subf %div3A_770, %max3A_880 : vector<1024x4xf32>
    %exp3A = math.exp %sub3A_881 : vector<1024x4xf32>
    %sub3A_882 = arith.subf %div3A_791, %max3A_880 : vector<1024x4xf32>
    %exp3A_883 = math.exp %sub3A_882 : vector<1024x4xf32>
    %sub3A_884 = arith.subf %div3A_812, %max3A_880 : vector<1024x4xf32>
    %exp3A_885 = math.exp %sub3A_884 : vector<1024x4xf32>
    %sub3A_886 = arith.subf %div3A_833, %max3A_880 : vector<1024x4xf32>
    %exp3A_887 = math.exp %sub3A_886 : vector<1024x4xf32>
    %sub3A_888 = arith.subf %div3A_854, %max3A_880 : vector<1024x4xf32>
    %exp3A_889 = math.exp %sub3A_888 : vector<1024x4xf32>
    %sub3A_890 = arith.subf %div3A_875, %max3A_880 : vector<1024x4xf32>
    %exp3A_891 = math.exp %sub3A_890 : vector<1024x4xf32>
    %add3A_892 = arith.addf %exp3A, %exp3A_883 : vector<1024x4xf32>
    %add3A_893 = arith.addf %add3A_892, %exp3A_885 : vector<1024x4xf32>
    %add3A_894 = arith.addf %add3A_893, %exp3A_887 : vector<1024x4xf32>
    %add3A_895 = arith.addf %add3A_894, %exp3A_889 : vector<1024x4xf32>
    %add3A_896 = arith.addf %add3A_895, %exp3A_891 : vector<1024x4xf32>
    %broadcast_in_dim3A_897 = arith.constant 0.000000e+00 : f32
    %broadcast_in_dim3A_898 = vector.broadcast %broadcast_in_dim3A_897 : f32 to vector<1024x256xf32>
    %div3A_899 = arith.divf %exp3A, %add3A_896 : vector<1024x4xf32>
    %slice3A = vector.extract_strided_slice %div3A_899 {offsets = [0, 0], sizes = [1024, 1], strides = [1, 1]} : vector<1024x4xf32> to vector<1024x1xf32>
    %mul3A_900 = vector.broadcast %slice3A : vector<1024x1xf32> to vector<1024x256xf32>
    %mul3A_901 = arith.mulf %convert_element_type3A_30, %mul3A_900 : vector<1024x256xf32>
    %slice3A_902 = vector.extract_strided_slice %div3A_899 {offsets = [0, 1], sizes = [1024, 1], strides = [1, 1]} : vector<1024x4xf32> to vector<1024x1xf32>
    %mul3A_903 = vector.broadcast %slice3A_902 : vector<1024x1xf32> to vector<1024x256xf32>
    %mul3A_904 = arith.mulf %convert_element_type3A_66, %mul3A_903 : vector<1024x256xf32>
    %add3A_905 = arith.addf %mul3A_901, %mul3A_904 : vector<1024x256xf32>
    %slice3A_906 = vector.extract_strided_slice %div3A_899 {offsets = [0, 2], sizes = [1024, 1], strides = [1, 1]} : vector<1024x4xf32> to vector<1024x1xf32>
    %mul3A_907 = vector.broadcast %slice3A_906 : vector<1024x1xf32> to vector<1024x256xf32>
    %mul3A_908 = arith.mulf %convert_element_type3A_102, %mul3A_907 : vector<1024x256xf32>
    %add3A_909 = arith.addf %add3A_905, %mul3A_908 : vector<1024x256xf32>
    %slice3A_910 = vector.extract_strided_slice %div3A_899 {offsets = [0, 3], sizes = [1024, 1], strides = [1, 1]} : vector<1024x4xf32> to vector<1024x1xf32>
    %mul3A_911 = vector.broadcast %slice3A_910 : vector<1024x1xf32> to vector<1024x256xf32>
    %mul3A_912 = arith.mulf %convert_element_type3A_138, %mul3A_911 : vector<1024x256xf32>
    %add3A_913 = arith.addf %add3A_909, %mul3A_912 : vector<1024x256xf32>
    %mul3A_914 = arith.mulf %add3A_913, %add3A_166 : vector<1024x256xf32>
    %add3A_915 = arith.addf %broadcast_in_dim3A_898, %mul3A_914 : vector<1024x256xf32>
    %div3A_916 = arith.divf %exp3A_883, %add3A_896 : vector<1024x4xf32>
    %slice3A_917 = vector.extract_strided_slice %div3A_916 {offsets = [0, 0], sizes = [1024, 1], strides = [1, 1]} : vector<1024x4xf32> to vector<1024x1xf32>
    %mul3A_918 = vector.broadcast %slice3A_917 : vector<1024x1xf32> to vector<1024x256xf32>
    %mul3A_919 = arith.mulf %convert_element_type3A_30, %mul3A_918 : vector<1024x256xf32>
    %slice3A_920 = vector.extract_strided_slice %div3A_916 {offsets = [0, 1], sizes = [1024, 1], strides = [1, 1]} : vector<1024x4xf32> to vector<1024x1xf32>
    %mul3A_921 = vector.broadcast %slice3A_920 : vector<1024x1xf32> to vector<1024x256xf32>
    %mul3A_922 = arith.mulf %convert_element_type3A_66, %mul3A_921 : vector<1024x256xf32>
    %add3A_923 = arith.addf %mul3A_919, %mul3A_922 : vector<1024x256xf32>
    %slice3A_924 = vector.extract_strided_slice %div3A_916 {offsets = [0, 2], sizes = [1024, 1], strides = [1, 1]} : vector<1024x4xf32> to vector<1024x1xf32>
    %mul3A_925 = vector.broadcast %slice3A_924 : vector<1024x1xf32> to vector<1024x256xf32>
    %mul3A_926 = arith.mulf %convert_element_type3A_102, %mul3A_925 : vector<1024x256xf32>
    %add3A_927 = arith.addf %add3A_923, %mul3A_926 : vector<1024x256xf32>
    %slice3A_928 = vector.extract_strided_slice %div3A_916 {offsets = [0, 3], sizes = [1024, 1], strides = [1, 1]} : vector<1024x4xf32> to vector<1024x1xf32>
    %mul3A_929 = vector.broadcast %slice3A_928 : vector<1024x1xf32> to vector<1024x256xf32>
    %mul3A_930 = arith.mulf %convert_element_type3A_138, %mul3A_929 : vector<1024x256xf32>
    %add3A_931 = arith.addf %add3A_927, %mul3A_930 : vector<1024x256xf32>
    %mul3A_932 = arith.mulf %add3A_931, %add3A_278 : vector<1024x256xf32>
    %add3A_933 = arith.addf %add3A_915, %mul3A_932 : vector<1024x256xf32>
    %div3A_934 = arith.divf %exp3A_885, %add3A_896 : vector<1024x4xf32>
    %slice3A_935 = vector.extract_strided_slice %div3A_934 {offsets = [0, 0], sizes = [1024, 1], strides = [1, 1]} : vector<1024x4xf32> to vector<1024x1xf32>
    %mul3A_936 = vector.broadcast %slice3A_935 : vector<1024x1xf32> to vector<1024x256xf32>
    %mul3A_937 = arith.mulf %convert_element_type3A_30, %mul3A_936 : vector<1024x256xf32>
    %slice3A_938 = vector.extract_strided_slice %div3A_934 {offsets = [0, 1], sizes = [1024, 1], strides = [1, 1]} : vector<1024x4xf32> to vector<1024x1xf32>
    %mul3A_939 = vector.broadcast %slice3A_938 : vector<1024x1xf32> to vector<1024x256xf32>
    %mul3A_940 = arith.mulf %convert_element_type3A_66, %mul3A_939 : vector<1024x256xf32>
    %add3A_941 = arith.addf %mul3A_937, %mul3A_940 : vector<1024x256xf32>
    %slice3A_942 = vector.extract_strided_slice %div3A_934 {offsets = [0, 2], sizes = [1024, 1], strides = [1, 1]} : vector<1024x4xf32> to vector<1024x1xf32>
    %mul3A_943 = vector.broadcast %slice3A_942 : vector<1024x1xf32> to vector<1024x256xf32>
    %mul3A_944 = arith.mulf %convert_element_type3A_102, %mul3A_943 : vector<1024x256xf32>
    %add3A_945 = arith.addf %add3A_941, %mul3A_944 : vector<1024x256xf32>
    %slice3A_946 = vector.extract_strided_slice %div3A_934 {offsets = [0, 3], sizes = [1024, 1], strides = [1, 1]} : vector<1024x4xf32> to vector<1024x1xf32>
    %mul3A_947 = vector.broadcast %slice3A_946 : vector<1024x1xf32> to vector<1024x256xf32>
    %mul3A_948 = arith.mulf %convert_element_type3A_138, %mul3A_947 : vector<1024x256xf32>
    %add3A_949 = arith.addf %add3A_945, %mul3A_948 : vector<1024x256xf32>
    %mul3A_950 = arith.mulf %add3A_949, %add3A_396 : vector<1024x256xf32>
    %add3A_951 = arith.addf %add3A_933, %mul3A_950 : vector<1024x256xf32>
    %div3A_952 = arith.divf %exp3A_887, %add3A_896 : vector<1024x4xf32>
    %slice3A_953 = vector.extract_strided_slice %div3A_952 {offsets = [0, 0], sizes = [1024, 1], strides = [1, 1]} : vector<1024x4xf32> to vector<1024x1xf32>
    %mul3A_954 = vector.broadcast %slice3A_953 : vector<1024x1xf32> to vector<1024x256xf32>
    %mul3A_955 = arith.mulf %convert_element_type3A_30, %mul3A_954 : vector<1024x256xf32>
    %slice3A_956 = vector.extract_strided_slice %div3A_952 {offsets = [0, 1], sizes = [1024, 1], strides = [1, 1]} : vector<1024x4xf32> to vector<1024x1xf32>
    %mul3A_957 = vector.broadcast %slice3A_956 : vector<1024x1xf32> to vector<1024x256xf32>
    %mul3A_958 = arith.mulf %convert_element_type3A_66, %mul3A_957 : vector<1024x256xf32>
    %add3A_959 = arith.addf %mul3A_955, %mul3A_958 : vector<1024x256xf32>
    %slice3A_960 = vector.extract_strided_slice %div3A_952 {offsets = [0, 2], sizes = [1024, 1], strides = [1, 1]} : vector<1024x4xf32> to vector<1024x1xf32>
    %mul3A_961 = vector.broadcast %slice3A_960 : vector<1024x1xf32> to vector<1024x256xf32>
    %mul3A_962 = arith.mulf %convert_element_type3A_102, %mul3A_961 : vector<1024x256xf32>
    %add3A_963 = arith.addf %add3A_959, %mul3A_962 : vector<1024x256xf32>
    %slice3A_964 = vector.extract_strided_slice %div3A_952 {offsets = [0, 3], sizes = [1024, 1], strides = [1, 1]} : vector<1024x4xf32> to vector<1024x1xf32>
    %mul3A_965 = vector.broadcast %slice3A_964 : vector<1024x1xf32> to vector<1024x256xf32>
    %mul3A_966 = arith.mulf %convert_element_type3A_138, %mul3A_965 : vector<1024x256xf32>
    %add3A_967 = arith.addf %add3A_963, %mul3A_966 : vector<1024x256xf32>
    %mul3A_968 = arith.mulf %add3A_967, %add3A_514 : vector<1024x256xf32>
    %add3A_969 = arith.addf %add3A_951, %mul3A_968 : vector<1024x256xf32>
    %div3A_970 = arith.divf %exp3A_889, %add3A_896 : vector<1024x4xf32>
    %slice3A_971 = vector.extract_strided_slice %div3A_970 {offsets = [0, 0], sizes = [1024, 1], strides = [1, 1]} : vector<1024x4xf32> to vector<1024x1xf32>
    %mul3A_972 = vector.broadcast %slice3A_971 : vector<1024x1xf32> to vector<1024x256xf32>
    %mul3A_973 = arith.mulf %convert_element_type3A_30, %mul3A_972 : vector<1024x256xf32>
    %slice3A_974 = vector.extract_strided_slice %div3A_970 {offsets = [0, 1], sizes = [1024, 1], strides = [1, 1]} : vector<1024x4xf32> to vector<1024x1xf32>
    %mul3A_975 = vector.broadcast %slice3A_974 : vector<1024x1xf32> to vector<1024x256xf32>
    %mul3A_976 = arith.mulf %convert_element_type3A_66, %mul3A_975 : vector<1024x256xf32>
    %add3A_977 = arith.addf %mul3A_973, %mul3A_976 : vector<1024x256xf32>
    %slice3A_978 = vector.extract_strided_slice %div3A_970 {offsets = [0, 2], sizes = [1024, 1], strides = [1, 1]} : vector<1024x4xf32> to vector<1024x1xf32>
    %mul3A_979 = vector.broadcast %slice3A_978 : vector<1024x1xf32> to vector<1024x256xf32>
    %mul3A_980 = arith.mulf %convert_element_type3A_102, %mul3A_979 : vector<1024x256xf32>
    %add3A_981 = arith.addf %add3A_977, %mul3A_980 : vector<1024x256xf32>
    %slice3A_982 = vector.extract_strided_slice %div3A_970 {offsets = [0, 3], sizes = [1024, 1], strides = [1, 1]} : vector<1024x4xf32> to vector<1024x1xf32>
    %mul3A_983 = vector.broadcast %slice3A_982 : vector<1024x1xf32> to vector<1024x256xf32>
    %mul3A_984 = arith.mulf %convert_element_type3A_138, %mul3A_983 : vector<1024x256xf32>
    %add3A_985 = arith.addf %add3A_981, %mul3A_984 : vector<1024x256xf32>
    %mul3A_986 = arith.mulf %add3A_985, %add3A_632 : vector<1024x256xf32>
    %add3A_987 = arith.addf %add3A_969, %mul3A_986 : vector<1024x256xf32>
    %div3A_988 = arith.divf %exp3A_891, %add3A_896 : vector<1024x4xf32>
    %slice3A_989 = vector.extract_strided_slice %div3A_988 {offsets = [0, 0], sizes = [1024, 1], strides = [1, 1]} : vector<1024x4xf32> to vector<1024x1xf32>
    %mul3A_990 = vector.broadcast %slice3A_989 : vector<1024x1xf32> to vector<1024x256xf32>
    %mul3A_991 = arith.mulf %convert_element_type3A_30, %mul3A_990 : vector<1024x256xf32>
    %slice3A_992 = vector.extract_strided_slice %div3A_988 {offsets = [0, 1], sizes = [1024, 1], strides = [1, 1]} : vector<1024x4xf32> to vector<1024x1xf32>
    %mul3A_993 = vector.broadcast %slice3A_992 : vector<1024x1xf32> to vector<1024x256xf32>
    %mul3A_994 = arith.mulf %convert_element_type3A_66, %mul3A_993 : vector<1024x256xf32>
    %add3A_995 = arith.addf %mul3A_991, %mul3A_994 : vector<1024x256xf32>
    %slice3A_996 = vector.extract_strided_slice %div3A_988 {offsets = [0, 2], sizes = [1024, 1], strides = [1, 1]} : vector<1024x4xf32> to vector<1024x1xf32>
    %mul3A_997 = vector.broadcast %slice3A_996 : vector<1024x1xf32> to vector<1024x256xf32>
    %mul3A_998 = arith.mulf %convert_element_type3A_102, %mul3A_997 : vector<1024x256xf32>
    %add3A_999 = arith.addf %add3A_995, %mul3A_998 : vector<1024x256xf32>
    %slice3A_1000 = vector.extract_strided_slice %div3A_988 {offsets = [0, 3], sizes = [1024, 1], strides = [1, 1]} : vector<1024x4xf32> to vector<1024x1xf32>
    %mul3A_1001 = vector.broadcast %slice3A_1000 : vector<1024x1xf32> to vector<1024x256xf32>
    %mul3A_1002 = arith.mulf %convert_element_type3A_138, %mul3A_1001 : vector<1024x256xf32>
    %add3A_1003 = arith.addf %add3A_999, %mul3A_1002 : vector<1024x256xf32>
    %mul3A_1004 = arith.mulf %add3A_1003, %add3A_750 : vector<1024x256xf32>
    %add3A_1005 = arith.addf %add3A_987, %mul3A_1004 : vector<1024x256xf32>
    %get3A_1006 = arith.constant 0 : index
    %get3A_1007 = arith.constant 0 : index
    %get3A_1008 = vector.load %arg26[%get3A_1006, %get3A_1007] : memref<256x256xf32, #tpu.memory_space<vmem>>, vector<256x256xf32>
    %dot_general3A_1009 = arith.constant dense<0.000000e+00> : vector<1024x256xf32>
    %dot_general3A_1010 = tpu.matmul %add3A_1005, %get3A_1008, %dot_general3A_1009 {dimension_numbers = #tpu.dot_dimension_numbers<[1], [0], [0], [1], [0, 0, 1, 1], [], []>, transpose_lhs_hint = false} : vector<1024x256xf32>, vector<256x256xf32>, vector<1024x256xf32> -> vector<1024x256xf32>
    %get3A_1011 = arith.constant 0 : index
    %get3A_1012 = arith.constant 0 : index
    %get3A_1013 = vector.load %arg27[%get3A_1011, %get3A_1012] : memref<1x256xf32, #tpu.memory_space<vmem>>, vector<1x256xf32>
    %add3A_1014 = vector.broadcast %get3A_1013 : vector<1x256xf32> to vector<1024x256xf32>
    %add3A_1015 = arith.addf %dot_general3A_1010, %add3A_1014 : vector<1024x256xf32>
    %add3A_1016 = arith.addf %add3A_1015, %get3A_4 : vector<1024x256xf32>
    %get3A_1017 = arith.constant 0 : index
    %get3A_1018 = arith.constant 0 : index
    %get3A_1019 = vector.load %arg28[%get3A_1017, %get3A_1018] : memref<1x256xf32, #tpu.memory_space<vmem>>, vector<1x256xf32>
    %get3A_1020 = arith.constant 0 : index
    %get3A_1021 = arith.constant 0 : index
    %get3A_1022 = vector.load %arg29[%get3A_1020, %get3A_1021] : memref<1x256xf32, #tpu.memory_space<vmem>>, vector<1x256xf32>
    %reduce_sum3A_1023 = arith.constant dense<0.000000e+00> : vector<1024xf32>
    %reduce_sum3A_1024 = vector.multi_reduction <add>, %add3A_1016, %reduce_sum3A_1023 [1] : vector<1024x256xf32> to vector<1024xf32>
    %broadcast_in_dim3A_1025 = vector.shape_cast %reduce_sum3A_1024 : vector<1024xf32> to vector<1024x1xf32>
    %div3A_1026 = arith.constant 2.560000e+02 : f32
    %div3A_1027 = vector.broadcast %div3A_1026 : f32 to vector<1024x1xf32>
    %div3A_1028 = arith.divf %broadcast_in_dim3A_1025, %div3A_1027 : vector<1024x1xf32>
    %sub3A_1029 = vector.broadcast %div3A_1028 : vector<1024x1xf32> to vector<1024x256xf32>
    %sub3A_1030 = arith.subf %add3A_1016, %sub3A_1029 : vector<1024x256xf32>
    %integer_pow3A_1031 = arith.mulf %sub3A_1030, %sub3A_1030 : vector<1024x256xf32>
    %reduce_sum3A_1032 = arith.constant dense<0.000000e+00> : vector<1024xf32>
    %reduce_sum3A_1033 = vector.multi_reduction <add>, %integer_pow3A_1031, %reduce_sum3A_1032 [1] : vector<1024x256xf32> to vector<1024xf32>
    %broadcast_in_dim3A_1034 = vector.shape_cast %reduce_sum3A_1033 : vector<1024xf32> to vector<1024x1xf32>
    %div3A_1035 = arith.constant 2.560000e+02 : f32
    %div3A_1036 = vector.broadcast %div3A_1035 : f32 to vector<1024x1xf32>
    %div3A_1037 = arith.divf %broadcast_in_dim3A_1034, %div3A_1036 : vector<1024x1xf32>
    %sub3A_1038 = vector.broadcast %div3A_1028 : vector<1024x1xf32> to vector<1024x256xf32>
    %sub3A_1039 = arith.subf %add3A_1016, %sub3A_1038 : vector<1024x256xf32>
    %add3A_1040 = arith.constant 9.99999974E-6 : f32
    %add3A_1041 = vector.broadcast %add3A_1040 : f32 to vector<1024x1xf32>
    %add3A_1042 = arith.addf %div3A_1037, %add3A_1041 : vector<1024x1xf32>
    %sqrt3A_1043 = math.sqrt %add3A_1042 : vector<1024x1xf32>
    %div3A_1044 = vector.broadcast %sqrt3A_1043 : vector<1024x1xf32> to vector<1024x256xf32>
    %div3A_1045 = arith.divf %sub3A_1039, %div3A_1044 : vector<1024x256xf32>
    %mul3A_1046 = vector.broadcast %get3A_1019 : vector<1x256xf32> to vector<1024x256xf32>
    %mul3A_1047 = arith.mulf %div3A_1045, %mul3A_1046 : vector<1024x256xf32>
    %add3A_1048 = vector.broadcast %get3A_1022 : vector<1x256xf32> to vector<1024x256xf32>
    %add3A_1049 = arith.addf %mul3A_1047, %add3A_1048 : vector<1024x256xf32>
    %get3A_1050 = arith.constant 0 : index
    %get3A_1051 = arith.constant 0 : index
    %get3A_1052 = vector.load %arg30[%get3A_1050, %get3A_1051] : memref<256x1024xf32, #tpu.memory_space<vmem>>, vector<256x1024xf32>
    %dot_general3A_1053 = arith.constant dense<0.000000e+00> : vector<1024x1024xf32>
    %dot_general3A_1054 = tpu.matmul %add3A_1049, %get3A_1052, %dot_general3A_1053 {dimension_numbers = #tpu.dot_dimension_numbers<[1], [0], [0], [1], [0, 0, 1, 1], [], []>, transpose_lhs_hint = false} : vector<1024x256xf32>, vector<256x1024xf32>, vector<1024x1024xf32> -> vector<1024x1024xf32>
    %get3A_1055 = arith.constant 0 : index
    %get3A_1056 = arith.constant 0 : index
    %get3A_1057 = vector.load %arg31[%get3A_1055, %get3A_1056] : memref<1x1024xf32, #tpu.memory_space<vmem>>, vector<1x1024xf32>
    %add3A_1058 = vector.broadcast %get3A_1057 : vector<1x1024xf32> to vector<1024x1024xf32>
    %add3A_1059 = arith.addf %dot_general3A_1054, %add3A_1058 : vector<1024x1024xf32>
    %max3A_1060 = arith.constant 0.000000e+00 : f32
    %max3A_1061 = vector.broadcast %max3A_1060 : f32 to vector<1024x1024xf32>
    %max3A_1062 = arith.maximumf %add3A_1059, %max3A_1061 : vector<1024x1024xf32>
    %get3A_1063 = arith.constant 0 : index
    %get3A_1064 = arith.constant 0 : index
    %get3A_1065 = vector.load %arg32[%get3A_1063, %get3A_1064] : memref<1024x256xf32, #tpu.memory_space<vmem>>, vector<1024x256xf32>
    %dot_general3A_1066 = arith.constant dense<0.000000e+00> : vector<1024x256xf32>
    %dot_general3A_1067 = tpu.matmul %max3A_1062, %get3A_1065, %dot_general3A_1066 {dimension_numbers = #tpu.dot_dimension_numbers<[1], [0], [0], [1], [0, 0, 1, 1], [], []>, transpose_lhs_hint = false} : vector<1024x1024xf32>, vector<1024x256xf32>, vector<1024x256xf32> -> vector<1024x256xf32>
    %get3A_1068 = arith.constant 0 : index
    %get3A_1069 = arith.constant 0 : index
    %get3A_1070 = vector.load %arg33[%get3A_1068, %get3A_1069] : memref<1x256xf32, #tpu.memory_space<vmem>>, vector<1x256xf32>
    %add3A_1071 = vector.broadcast %get3A_1070 : vector<1x256xf32> to vector<1024x256xf32>
    %add3A_1072 = arith.addf %dot_general3A_1067, %add3A_1071 : vector<1024x256xf32>
    %add3A_1073 = arith.addf %add3A_1072, %add3A_1049 : vector<1024x256xf32>
    %get3A_1074 = arith.constant 0 : index
    %get3A_1075 = arith.constant 0 : index
    %get3A_1076 = vector.load %arg34[%get3A_1074, %get3A_1075] : memref<1x256xf32, #tpu.memory_space<vmem>>, vector<1x256xf32>
    %get3A_1077 = arith.constant 0 : index
    %get3A_1078 = arith.constant 0 : index
    %get3A_1079 = vector.load %arg35[%get3A_1077, %get3A_1078] : memref<1x256xf32, #tpu.memory_space<vmem>>, vector<1x256xf32>
    %reduce_sum3A_1080 = arith.constant dense<0.000000e+00> : vector<1024xf32>
    %reduce_sum3A_1081 = vector.multi_reduction <add>, %add3A_1073, %reduce_sum3A_1080 [1] : vector<1024x256xf32> to vector<1024xf32>
    %broadcast_in_dim3A_1082 = vector.shape_cast %reduce_sum3A_1081 : vector<1024xf32> to vector<1024x1xf32>
    %div3A_1083 = arith.constant 2.560000e+02 : f32
    %div3A_1084 = vector.broadcast %div3A_1083 : f32 to vector<1024x1xf32>
    %div3A_1085 = arith.divf %broadcast_in_dim3A_1082, %div3A_1084 : vector<1024x1xf32>
    %sub3A_1086 = vector.broadcast %div3A_1085 : vector<1024x1xf32> to vector<1024x256xf32>
    %sub3A_1087 = arith.subf %add3A_1073, %sub3A_1086 : vector<1024x256xf32>
    %integer_pow3A_1088 = arith.mulf %sub3A_1087, %sub3A_1087 : vector<1024x256xf32>
    %reduce_sum3A_1089 = arith.constant dense<0.000000e+00> : vector<1024xf32>
    %reduce_sum3A_1090 = vector.multi_reduction <add>, %integer_pow3A_1088, %reduce_sum3A_1089 [1] : vector<1024x256xf32> to vector<1024xf32>
    %broadcast_in_dim3A_1091 = vector.shape_cast %reduce_sum3A_1090 : vector<1024xf32> to vector<1024x1xf32>
    %div3A_1092 = arith.constant 2.560000e+02 : f32
    %div3A_1093 = vector.broadcast %div3A_1092 : f32 to vector<1024x1xf32>
    %div3A_1094 = arith.divf %broadcast_in_dim3A_1091, %div3A_1093 : vector<1024x1xf32>
    %sub3A_1095 = vector.broadcast %div3A_1085 : vector<1024x1xf32> to vector<1024x256xf32>
    %sub3A_1096 = arith.subf %add3A_1073, %sub3A_1095 : vector<1024x256xf32>
    %add3A_1097 = arith.constant 9.99999974E-6 : f32
    %add3A_1098 = vector.broadcast %add3A_1097 : f32 to vector<1024x1xf32>
    %add3A_1099 = arith.addf %div3A_1094, %add3A_1098 : vector<1024x1xf32>
    %sqrt3A_1100 = math.sqrt %add3A_1099 : vector<1024x1xf32>
    %div3A_1101 = vector.broadcast %sqrt3A_1100 : vector<1024x1xf32> to vector<1024x256xf32>
    %div3A_1102 = arith.divf %sub3A_1096, %div3A_1101 : vector<1024x256xf32>
    %mul3A_1103 = vector.broadcast %get3A_1076 : vector<1x256xf32> to vector<1024x256xf32>
    %mul3A_1104 = arith.mulf %div3A_1102, %mul3A_1103 : vector<1024x256xf32>
    %add3A_1105 = vector.broadcast %get3A_1079 : vector<1x256xf32> to vector<1024x256xf32>
    %add3A_1106 = arith.addf %mul3A_1104, %add3A_1105 : vector<1024x256xf32>
    %add3A_1107 = arith.addf %add3A_1106, %get3A_4 : vector<1024x256xf32>
    %swap3A = arith.constant 0 : index
    %swap3A_1108 = arith.constant 0 : index
    %swap3A_1109 = vector.load %arg36[%swap3A, %swap3A_1108] : memref<1024x256xf32, #tpu.memory_space<vmem>>, vector<1024x256xf32>
    tpu.vector_store %arg36[%swap3A, %swap3A_1108], %add3A_1107 {strides = array<i32>} : memref<1024x256xf32, #tpu.memory_space<vmem>>, vector<1024x256xf32>,
    return
  }
}

</mosaic_0001>

<sc_bundles>
// kernel: kernel.6.cloned.1.call-start
scs
__scs_entry_jumppad:
0x0: {  	(pc) =	sbr.rel $0x88, $3  }
0x1: {  	(tag) =	ssettag $0x0;
	lr =	simm.s32 $0x1  }
0x2: {  	[smem:$0x3F85] =	sst lr;
	_ =	strace $0xD0000000  }
0x3: {  	_ = 	snop  }
0x4: {  	_ = 	snop  }
0x5: {  	_ = 	snop  }
0x6: {  	_ = 	snop  }
0x7: {  	_ = 	snop  }
__scs_overlays_trampoline_lowered:
0x8: {  	[smem:$0x3F94] =	sst s0  }
0x9: {  	[smem:$0x3F95] =	sst s1  }
0xa: {  	[smem:$0x3F96] =	sst s2  }
0xb: {  	[smem:$0x3F97] =	sst s3  }
0xc: {  	[smem:$0x3F98] =	sst s4  }
0xd: {  	[smem:$0x3F99] =	sst s5  }
0xe: {  	[smem:$0x3F9A] =	sst s6  }
0xf: {  	[smem:$0x3F9B] =	sst s7  }
0x10: {  	[smem:$0x3F9C] =	sst s8  }
0x11: {  	[smem:$0x3F9D] =	sst s9;
	s0 =	simm.s32 @!p0 $0x0  }
0x12: {  	s1 =	sld [smem:$0x3F83];
	s0 =	simm.s32 @p0 $0x1  }
0x13: {  	[smem:$0x3F9E] =	sst s0;
	s0 =	simm.s32 @!p1 $0x0  }
0x14: {  	s2 =	sld [smem:$0x3F82];
	s0 =	simm.s32 @p1 $0x1  }
0x15: {  	[smem:$0x3F9F] =	sst s0;
	s0 =	simm.s32 @!p2 $0x0  }
0x16: {  	s3 =	sld [smem:$0x3FDB];
	s0 =	simm.s32 @p2 $0x1  }
0x17: {  	s4 =	simm.s32 $0x1BF5;
	[smem:$0x3FA1] =	sst s0  }
0x18: {  	s0 =	sld [smem:$0x3F84];
	_ =	swait.ge [sflag:s4], $0x0  }
0x19: {  	s7 =	sld [smem:$0x3F85]  }
0x1a: {  	s8 =	sadd.s32 $0xFFFFE003, lr  }
0x1b: {  	s9 =	sadd.s32 $0xFFFFFEF7, lr;
	s5 =	simm.s32 $0xFFFFFFFF;
	p2 =	slt.u32 s8, $0xFFFFF086  }
0x1c: {  	p1 =	slt.u32 s9, $0xF7A;
	s5 =	simm.s32 @!p2 $0x0  }
0x1d: {  	s5 =	simm.s32 @p1 $0x1;
	p0 =	seq.s32 s7, s2  }
0x1e: {  	s7 =	smul.u32 @!p0 $0xF7A, s2;
	p2 =	seq.s32 @!p0 s5, $0x0  }
0x1f: {  	s9 =	smul.u32 $0xF7A, s1;
	s8 =	simm.s32 @!p0 $0x1BF5;
	p2 =	por !p2, p0  }
0x20: {  	[sflag:s8] =	ssyncset.s32 @!p0 $0xFFFFF086;
	s6 =	sadd.s32 @!p0 s3, s7;
	s7 =	simm.s32 @!p0 $0x108  }
0x21: {  	s3 =	sadd.s32 s3, s9;
	s6 =	sadd.s32 @!p0 $0x88, s6;
	s7 =	simm.s32 @p2 $0x1082  }
0x22: {  	[simem:s7], [sflag:s8] =	dma.local @!p0 [hbm:s6], $0xF7A  }
0x23: {  	s9 =	sor.u32 $0xD0000000, s2;
	s6 =	simm.s32 $0x108;
	_ =	swait.ge @!p0 [sflag:s8], $0x0  }
0x24: {  	s3 =	sadd.s32 $0x88, s3;
	s6 =	simm.s32 @!p1 $0x1082;
	[sflag:s4] =	ssyncset.s32 $0xFFFFF086  }
0x25: {  	[simem:s6], [sflag:s4] =	dma.local [hbm:s3], $0xF7A  }
0x26: {  	[smem:$0x3F85] =	sst s1;
	(tag) =	ssettag s2;
	_ =	strace s9  }
0x27: {  	s1 =	sld [smem:$0x3F95]  }
0x28: {  	s2 =	sld [smem:$0x3F96]  }
0x29: {  	s4 =	sld [smem:$0x3F98]  }
0x2a: {  	p0 =	seq.s32 s5, $0x0;
	s5 =	sld [smem:$0x3F99]  }
0x2b: {  	s6 =	sld [smem:$0x3F9A]  }
0x2c: {  	s7 =	sld [smem:$0x3F9B]  }
0x2d: {  	s3 =	simm.s32 $0x108;
	s8 =	sld [smem:$0x3F9C]  }
0x2e: {  	s3 =	simm.s32 @!p0 $0x1082;
	s9 =	sld [smem:$0x3F9D]  }
0x2f: {  	lr =	sadd.s32 s0, s3;
	s0 =	sld [smem:$0x3F94]  }
0x30: {  	s3 =	sld [smem:$0x3F97]  }
0x31: {  	[smem:$0x3FA0] =	sst s10  }
0x32: {  	s10 =	sld [smem:$0x3F9E];
	_ =	sdelay $0x3  }
0x33: {  	p0 =	seq.s32 s10, $0x1;
	s10 =	sld [smem:$0x3FA0];
	_ =	sdelay $0x3  }
0x34: {  	[smem:$0x3FA0] =	sst s10  }
0x35: {  	s10 =	sld [smem:$0x3F9F];
	_ =	sdelay $0x3  }
0x36: {  	p1 =	seq.s32 s10, $0x1;
	s10 =	sld [smem:$0x3FA0];
	_ =	sdelay $0x3  }
0x37: {  	[smem:$0x3FA0] =	sst s10  }
0x38: {  	s10 =	sld [smem:$0x3FA1]  }
0x39: {  	_ = 	snop;
	(pc) =	sbr.ind lr, $3  }
0x3a: {  	_ = 	snop  }
0x3b: {  	_ = 	snop  }
0x3c: {  	p2 =	seq.s32 s10, $0x1;
	s10 =	sld [smem:$0x3FA0]  }
0x3d: {  	_ =	shalt  }
0x3e: {  	_ =	shalt  }
0x3f: {  	_ =	shalt  }
0x40: {  	_ =	shalt  }
0x41: {  	_ =	shalt  }
0x42: {  	_ =	shalt  }
0x43: {  	_ =	shalt  }
0x44: {  	_ =	shalt  }
0x45: {  	_ =	shalt  }
0x46: {  	_ =	shalt  }
0x47: {  	_ =	shalt  }
0x48: {  	_ =	shalt  }
0x49: {  	_ =	shalt  }
0x4a: {  	_ =	shalt  }
0x4b: {  	_ =	shalt  }
0x4c: {  	_ =	shalt  }
0x4d: {  	_ =	shalt  }
0x4e: {  	_ =	shalt  }
0x4f: {  	_ =	shalt  }
0x50: {  	_ =	shalt  }
0x51: {  	_ =	shalt  }
0x52: {  	_ =	shalt  }
0x53: {  	_ =	shalt  }
0x54: {  	_ =	shalt  }
0x55: {  	_ =	shalt  }
0x56: {  	_ =	shalt  }
0x57: {  	_ =	shalt  }
0x58: {  	_ =	shalt  }
0x59: {  	_ =	shalt  }
0x5a: {  	_ =	shalt  }
0x5b: {  	_ =	shalt  }
0x5c: {  	_ =	shalt  }
0x5d: {  	_ =	shalt  }
0x5e: {  	_ =	shalt  }
0x5f: {  	_ =	shalt  }
0x60: {  	_ =	shalt  }
0x61: {  	_ =	shalt  }
0x62: {  	_ =	shalt  }
0x63: {  	_ =	shalt  }
0x64: {  	_ =	shalt  }
0x65: {  	_ =	shalt  }
0x66: {  	_ =	shalt  }
0x67: {  	_ =	shalt  }
0x68: {  	_ =	shalt  }
0x69: {  	_ =	shalt  }
0x6a: {  	_ =	shalt  }
0x6b: {  	_ =	shalt  }
0x6c: {  	_ =	shalt  }
0x6d: {  	_ =	shalt  }
0x6e: {  	_ =	shalt  }
0x6f: {  	_ =	shalt  }
0x70: {  	_ =	shalt  }
0x71: {  	_ =	shalt  }
0x72: {  	_ =	shalt  }
0x73: {  	_ =	shalt  }
0x74: {  	_ =	shalt  }
0x75: {  	_ =	shalt  }
0x76: {  	_ =	shalt  }
0x77: {  	_ =	shalt  }
0x78: {  	_ =	shalt  }
0x79: {  	_ =	shalt  }
0x7a: {  	_ =	shalt  }
0x7b: {  	_ =	shalt  }
0x7c: {  	_ =	shalt  }
0x7d: {  	_ =	shalt  }
0x7e: {  	_ =	shalt  }
0x7f: {  	_ =	shalt  }
0x80: {  	_ =	shalt  }
0x81: {  	_ =	shalt  }
0x82: {  	_ =	shalt  }
0x83: {  	_ =	shalt  }
0x84: {  	_ =	shalt  }
0x85: {  	_ =	shalt  }
0x86: {  	_ =	shalt  }
0x87: {  	_ =	shalt  }
.Lfunc_end0:
.L_simem_size_0:
called_computation_lowered:
.L_overlay_start_0:
0x88: {  	s2 =	sld [smem:$0x3FD9]  }
0x89: {  	s3 =	sld [smem:$0x3FFE];
	_ =	sdelay $0x1  }
0x8a: {  	s1 =	srdreg.scid  }
0x8b: {  	s0 =	sand.u32 $0x1, s1  }
0x8c: {  	s17 =	sshll.u32 s0, $0xA;
	s2 =	sadd.s32 s3, s2  }
0x8d: {  	s2 =	sadd.s32 s2, s17  }
0x8e: {  	[smem:$0x3FAC] =	sst s2  }
0x8f: {  	_ = 	snop  }
0x90: {  	s2 =	sld [smem:$0x3FC8]  }
0x91: {  	s18 =	sld [smem:$0x3FC7];
	(tm) =	ssettm $0x1  }
0x92: {  	s4 =	sld [smem:$0x3FFB];
	_ =	sdelay $0x3  }
0x93: {  	_ =	strace s4  }
0x94: {  	s4 =	sld [smem:$0x3FFC];
	_ =	sdelay $0x3  }
0x95: {  	_ =	strace s4  }
0x96: {  	s4 =	sld [smem:$0x3FFD];
	_ =	sdelay $0x3  }
0x97: {  	_ =	strace s4  }
0x98: {  	_ =	strace $0x8FFFFFFF  }
0x99: {  	s19 =	sld [smem:$0x3FDB];
	_ =	sdelay $0x1  }
0x9a: {  	s5 =	simm.s32 $_scs_section_size  }
0x9b: {  	s6 =	simm.s32 $_size__tile_overlayer_lowered;
	s7 =	simm.s32 $_tile_overlayer_lowered  }
0x9c: {  	s22 =	simm.s32 $0x1BFF;
	s21 =	sshll.u32 s7, $0x1;
	s4 =	sadd.s32 s5, s19  }
0x9d: {  	s8 =	simm.s32 $0x0;
	s20 =	sshll.u32 s6, $0x1;
	s6 =	sadd.s32 s21, s4  }
0x9e: {  	[timem:s8], [sflag:s22] =	dma.local [hbm:s6], s20  }
0x9f: {  	_ =	swait.ge [sflag:s22], s20  }
0xa0: {  	s5 =	ssub.s32 $0x0, s20;
	[sflag:s22] =	ssyncset.done $0x0  }
0xa1: {  	[sflag:s22] =	ssyncadd.s32 s5;
	_ =	sdelay $0x1  }
0xa2: {  	s23 =	simm.s32 $0x1B8B  }
0xa3: {  	_ =	swait.ge [sflag:s23], $0x1  }
0xa4: {  	[sflag:s23] =	ssyncset.done $0x0  }
0xa5: {  	s25 =	simm.s32 $0x1B8E;
	s24 =	sld [smem:$0x3FFE];
	[sflag:s23] =	ssyncadd.s32 $0xFFFFFFFF  }
0xa6: {  	s26 =	simm.s32 $execute0_lowered;
	[smem:$0x3FD2] =	sst s25  }
0xa7: {  	s6 =	sshll.u32 s26, $0x1;
	_ =	strace $0x80000046;
	[dreg:$0x1] =	wrdreg $0xFFFFFFFF  }
0xa8: {  	s28 =	simm.s32 $_size_execute0_lowered;
	s4 =	sadd.s32 s4, s6;
	[dreg:$0x0] =	wrdreg $0x0  }
0xa9: {  	s6 =	sshll.u32 s28, $0x1;
	[dreg:$0x2] =	wrdreg s4  }
0xaa: {  	[dreg:$0x3] =	wrdreg s6  }
0xab: {  	[dreg:$0x4] =	wrdreg $0xC0  }
0xac: {  	_ =	task [dreg:s8], $0x5FFFF  }
0xad: {  	[dreg:$0x1] =	wrdreg $0xFFFFFFFF  }
0xae: {  	[dreg:$0x0] =	wrdreg $0x60  }
0xaf: {  	[dreg:$0x2] =	wrdreg s2  }
0xb0: {  	[dreg:$0x3] =	wrdreg s18  }
0xb1: {  	[dreg:$0x4] =	wrdreg s24  }
0xb2: {  	[dreg:$0x5] =	wrdreg $0x9  }
0xb3: {  	_ =	task.clear_ibuf [dreg:s8], $0x6FFFF;
	_ =	strace $0x90000046  }
0xb4: {  	s29 =	simm.s32 $0x9;
	_ =	strace $0x80000048  }
0xb5: {  	_ =	swait.ge [sflag:s29], $0x1  }
0xb6: {  	[sflag:s29] =	ssyncadd.s32 $0xFFFFFFFF  }
0xb7: {  	_ =	strace $0x90000048  }
0xb8: {  	_ =	sfence  }
0xb9: {  	s30 =	sld [smem:$0x0];
	_ =	sdelay $0x2  }
0xba: {  	s31 =	sshll.u32 s1, $0xD;
	s1 =	sshrl.u32 s1, $0x2  }
0xbb: {  	s3 =	sand.u32 $0x4000, s31;
	s1 =	sadd.s32 s1, s30  }
0xbc: {  	s0 =	sor.u32 s3, s0;
	s1 =	sshll.u32 s1, $0x11  }
0xbd: {  	s0 =	sor.u32 s1, s0  }
0xbe: {  	s0 =	sadd.s32 $0x8F2B, s0  }
0xbf: {  	[sflag:s0] =	ssyncadd.remote.s32 $0x1  }
0xc0: {  	_ =	sfence.sel $0xFFFF  }
0xc1: {  	[dreg:$0x0] =	wrdreg $0xFFFFFFFF;
	(pc) =	sbr.abs _section_cstart, $3  }
0xc2: {  	[dreg:$0x1] =	wrdreg $0xFFFFFFFF  }
0xc3: {  	_ =	task.clear_ibuf [dreg:s8], $0x2FFFF;
	_ =	strace $0x9FFFFFFF  }
0xc4: {  	(tm) =	ssettm $0x7FFFFFFF  }
0xc5: {  	_ =	shalt  }
tec
execute0_lowered:
.L_overlay_start_1:
0x0: {  	(tag) =	ssettag $0x1  }
0x1: {  	s1 =	rddreg [dreg:$0x0]  }
0x2: {  	s3 =	rddreg [dreg:$0x1]  }
0x3: {  	s0 =	rddreg [dreg:$0x2];
	s2 =	srdreg.scid  }
0x4: {  	s5 =	stileid.u32;
	s4 =	simm.s32 $0x0;
	s15 =	simm.s32 $0x2  }
0x5: {  	s17 =	simm.s32 $0x880;
	s18 =	simm.s32 $0x1080;
	s19 =	simm.s32 $0x1880  }
0x6: {  	s20 =	simm.s32 $0x2080;
	s21 =	simm.s32 $0x2880;
	s28 =	simm.s32 $0x5880  }
0x7: {  	s30 =	simm.s32 $0x6080;
	s31 =	simm.s32 $0x6880;
	s29 =	simm.s32 $0x7080  }
0x8: {  	s12 =	simm.s32 $0x9880;
	s2 =	sand.u32 $0x1, s2;
	s5 =	sshll.u32 s5, $0x1  }
0x9: {  	s13 =	simm.s32 $0xA880;
	[smem:$0x7FF] =	sst s4;
	s5 =	sor.u32 s2, s5  }
0xa: {  	s7 =	sadd.s32 $0xDE00, s0;
	s8 =	sadd.s32 $0xE200, s0;
	s6 =	smul.u32 $0xA0, s5  }
0xb: {  	s0 =	sadd.s32 $0x5E200, s0;
	s2 =	ssub.s32 $0x2, s2;
	s10 =	smul.u32 $0x2800, s5  }
0xc: {  	_ =	strace $0x80000047;
	s11 =	sshrl.u32 s2, $0x1;
	s5 =	smul.u32 $0x1400, s5  }
0xd: {  	s2 =	ssub.s32 s2, s11;
	s11 =	simm.s32 $0x9080;
	s9 =	sshrl.u32 s6, $0x3  }
0xe: {  	s22 =	sadd.s32 s8, s10;
	s6 =	sadd.s32 $0x50, s6;
	s5 =	sadd.s32 s0, s5  }
0xf: {  	s10 =	simm.s32 $0x8880;
	s9 =	sadd.s32 s7, s9;
	[dreg:$0x5] =	wrdreg s22  }
0x10: {  	s23 =	sshrl.u32 s6, $0x3;
	[dreg:$0x6] =	wrdreg s5;
	s25 =	sshll.u32 s6, $0x6  }
0x11: {  	s6 =	sshll.u32 s6, $0x5;
	s5 =	sadd.s32 $0x100, s1;
	s22 =	simm.s32 $0x3080  }
0x12: {  	[dreg:$0x4] =	wrdreg s9;
	s24 =	sadd.s32 s7, s23;
	s26 =	sadd.s32 s8, s25  }
0x13: {  	s0 =	sadd.s32 s0, s6;
	s6 =	smax.u32 s2, $0x1;
	s7 =	simm.s32 $0x3  }
0x14: {  	v2 =	vlaneseq.u32;
	s2 =	simm.s32 $0x1;
	s23 =	simm.s32 $0x3880;
	[dreg:$0x7] =	wrdreg s24  }
0x15: {  	vm0 =	vmmov $0xffff;
	v1 =	vshrl.u32 v2, $0x3;
	s25 =	simm.s32 $0x4880;
	s9 =	simm.s32 $0x8080;
	[dreg:$0x8] =	wrdreg s26  }
0x16: {  	v0 =	vand.u32 $0x7, v2;
	v2 =	vor.u32 $0x8, v2;
	v1 =	vmul.u32 $0x8, v1;
	[dreg:$0x9] =	wrdreg s0;
	s24 =	simm.s32 $0x4080;
	s26 =	simm.s32 $0x5080  }
.LBB2_1:
0x17: {  	s16 =	rddreg [dreg:$0x4]  }
0x18: {  	[tilespmem:s4], [sflag:$0x3] =	stream.linear.gather [hbm4b:s16+s4], $0x50, $0x38;
	[tilespmem:$0xF080] =	vst v63  }
0x19: {  	_ =	swait.ge [sflag:s7], $0x50  }
0x1a: {  	[sflag:s7] =	ssyncset.done $0x0  }
0x1b: {  	[sflag:s7] =	ssyncadd.s32 $0xFFFFFFB0  }
0x1c: {  	v3 =	vld [tilespmem:$0x0];
	_ =	sdelay $0x4  }
0x1d: {  	v4 =	vshll.u32 v3, $0x2  }
0x1e: {  	v3 =	vand.u32 $0x7, v3;
	v4 =	vand.u32 $0xFFFFFFE0, v4  }
0x1f: {  	v3 =	vor.u32 v3, v4  }
0x20: {  	v4 =	vperm.xlane v3, v0;
	_ =	sdelay $0x1  }
0x21: {  	v4 =	vadd.s32 v1, v4;
	_ =	sdelay $0x1  }
0x22: {  	v3 =	vperm.xlane v3, v2;
	_ =	sdelay $0x1  }
0x23: {  	s0 =	simm.s32 $0x80;
	v3 =	vadd.s32 v1, v3  }
0x24: {  	[tilespmem:s0], [sflag:$0x1] =	stream.indirect_vreg.gather [hbm4b:s1+s4], $0x80, v4, vm0, $0xb8;
	[tilespmem:$0xF080] =	vst v63  }
0x25: {  	_ = 	snop  }
0x26: {  	[tilespmem:s17], [sflag:$0x1] =	stream.indirect_vreg.gather [hbm4b:s5+s4], $0x80, v4, vm0, $0xb8;
	[tilespmem:$0xF080] =	vst v63  }
0x27: {  	_ = 	snop  }
0x28: {  	[tilespmem:s18], [sflag:$0x1] =	stream.indirect_vreg.gather [hbm4b:s1+s4], $0x80, v3, vm0, $0xb8;
	[tilespmem:$0xF080] =	vst v63  }
0x29: {  	_ = 	snop  }
0x2a: {  	[tilespmem:s19], [sflag:$0x1] =	stream.indirect_vreg.gather [hbm4b:s5+s4], $0x80, v3, vm0, $0xb8;
	[tilespmem:$0xF080] =	vst v63  }
0x2b: {  	v3 =	vld [tilespmem:$0x10];
	_ =	sdelay $0x4  }
0x2c: {  	v45 =	vshll.u32 v3, $0x2  }
0x2d: {  	v3 =	vand.u32 $0x7, v3;
	v4 =	vand.u32 $0xFFFFFFE0, v45  }
0x2e: {  	v3 =	vor.u32 v3, v4  }
0x2f: {  	v4 =	vperm.xlane v3, v0;
	_ =	sdelay $0x1  }
0x30: {  	v4 =	vadd.s32 v1, v4;
	_ =	sdelay $0x1  }
0x31: {  	v3 =	vperm.xlane v3, v2;
	_ =	sdelay $0x1  }
0x32: {  	v3 =	vadd.s32 v1, v3  }
0x33: {  	[tilespmem:s20], [sflag:$0x1] =	stream.indirect_vreg.gather [hbm4b:s1+s4], $0x80, v4, vm0, $0xb8;
	[tilespmem:$0xF080] =	vst v63  }
0x34: {  	_ = 	snop  }
0x35: {  	[tilespmem:s21], [sflag:$0x1] =	stream.indirect_vreg.gather [hbm4b:s5+s4], $0x80, v4, vm0, $0xb8;
	[tilespmem:$0xF080] =	vst v63  }
0x36: {  	_ = 	snop  }
0x37: {  	[tilespmem:s22], [sflag:$0x1] =	stream.indirect_vreg.gather [hbm4b:s1+s4], $0x80, v3, vm0, $0xb8;
	[tilespmem:$0xF080] =	vst v63  }
0x38: {  	_ = 	snop  }
0x39: {  	[tilespmem:s23], [sflag:$0x1] =	stream.indirect_vreg.gather [hbm4b:s5+s4], $0x80, v3, vm0, $0xb8;
	[tilespmem:$0xF080] =	vst v63  }
0x3a: {  	v3 =	vld [tilespmem:$0x20];
	_ =	sdelay $0x4  }
0x3b: {  	v46 =	vshll.u32 v3, $0x2  }
0x3c: {  	v3 =	vand.u32 $0x7, v3;
	v4 =	vand.u32 $0xFFFFFFE0, v46  }
0x3d: {  	v3 =	vor.u32 v3, v4  }
0x3e: {  	v4 =	vperm.xlane v3, v0;
	_ =	sdelay $0x1  }
0x3f: {  	v4 =	vadd.s32 v1, v4;
	_ =	sdelay $0x1  }
0x40: {  	v3 =	vperm.xlane v3, v2;
	_ =	sdelay $0x1  }
0x41: {  	v3 =	vadd.s32 v1, v3  }
0x42: {  	[tilespmem:s24], [sflag:$0x1] =	stream.indirect_vreg.gather [hbm4b:s1+s4], $0x80, v4, vm0, $0xb8;
	[tilespmem:$0xF080] =	vst v63  }
0x43: {  	_ = 	snop  }
0x44: {  	[tilespmem:s25], [sflag:$0x1] =	stream.indirect_vreg.gather [hbm4b:s5+s4], $0x80, v4, vm0, $0xb8;
	[tilespmem:$0xF080] =	vst v63  }
0x45: {  	_ = 	snop  }
0x46: {  	[tilespmem:s26], [sflag:$0x1] =	stream.indirect_vreg.gather [hbm4b:s1+s4], $0x80, v3, vm0, $0xb8;
	[tilespmem:$0xF080] =	vst v63  }
0x47: {  	_ = 	snop  }
0x48: {  	[tilespmem:s28], [sflag:$0x1] =	stream.indirect_vreg.gather [hbm4b:s5+s4], $0x80, v3, vm0, $0xb8;
	[tilespmem:$0xF080] =	vst v63  }
0x49: {  	v3 =	vld [tilespmem:$0x30];
	_ =	sdelay $0x4  }
0x4a: {  	v47 =	vshll.u32 v3, $0x2  }
0x4b: {  	v3 =	vand.u32 $0x7, v3;
	v4 =	vand.u32 $0xFFFFFFE0, v47  }
0x4c: {  	v3 =	vor.u32 v3, v4  }
0x4d: {  	v4 =	vperm.xlane v3, v0;
	_ =	sdelay $0x1  }
0x4e: {  	v4 =	vadd.s32 v1, v4;
	_ =	sdelay $0x1  }
0x4f: {  	v3 =	vperm.xlane v3, v2;
	_ =	sdelay $0x1  }
0x50: {  	v3 =	vadd.s32 v1, v3  }
0x51: {  	[tilespmem:s30], [sflag:$0x1] =	stream.indirect_vreg.gather [hbm4b:s1+s4], $0x80, v4, vm0, $0xb8;
	[tilespmem:$0xF080] =	vst v63  }
0x52: {  	_ = 	snop  }
0x53: {  	[tilespmem:s31], [sflag:$0x1] =	stream.indirect_vreg.gather [hbm4b:s5+s4], $0x80, v4, vm0, $0xb8;
	[tilespmem:$0xF080] =	vst v63  }
0x54: {  	_ = 	snop  }
0x55: {  	[tilespmem:s29], [sflag:$0x1] =	stream.indirect_vreg.gather [hbm4b:s1+s4], $0x80, v3, vm0, $0xb8;
	[tilespmem:$0xF080] =	vst v63  }
0x56: {  	s14 =	simm.s32 $0x7880  }
0x57: {  	[tilespmem:s14], [sflag:$0x1] =	stream.indirect_vreg.gather [hbm4b:s5+s4], $0x80, v3, vm0, $0xb8;
	[tilespmem:$0xF080] =	vst v63  }
0x58: {  	v3 =	vld [tilespmem:$0x40];
	_ =	sdelay $0x4  }
0x59: {  	v48 =	vshll.u32 v3, $0x2  }
0x5a: {  	v3 =	vand.u32 $0x7, v3;
	v4 =	vand.u32 $0xFFFFFFE0, v48  }
0x5b: {  	v3 =	vor.u32 v3, v4  }
0x5c: {  	v4 =	vperm.xlane v3, v0;
	_ =	sdelay $0x1  }
0x5d: {  	v4 =	vadd.s32 v1, v4;
	_ =	sdelay $0x1  }
0x5e: {  	v3 =	vperm.xlane v3, v2;
	_ =	sdelay $0x1  }
0x5f: {  	v3 =	vadd.s32 v1, v3  }
0x60: {  	[tilespmem:s9], [sflag:$0x1] =	stream.indirect_vreg.gather [hbm4b:s1+s4], $0x80, v4, vm0, $0xb8;
	[tilespmem:$0xF080] =	vst v63  }
0x61: {  	_ = 	snop  }
0x62: {  	[tilespmem:s10], [sflag:$0x1] =	stream.indirect_vreg.gather [hbm4b:s5+s4], $0x80, v4, vm0, $0xb8;
	[tilespmem:$0xF080] =	vst v63  }
0x63: {  	_ = 	snop  }
0x64: {  	[tilespmem:s11], [sflag:$0x1] =	stream.indirect_vreg.gather [hbm4b:s1+s4], $0x80, v3, vm0, $0xb8;
	[tilespmem:$0xF080] =	vst v63  }
0x65: {  	_ = 	snop  }
0x66: {  	[tilespmem:s12], [sflag:$0x1] =	stream.indirect_vreg.gather [hbm4b:s5+s4], $0x80, v3, vm0, $0xb8;
	[tilespmem:$0xF080] =	vst v63  }
0x67: {  	v3 =	vld [tilespmem:$0x0];
	_ =	sdelay $0x4  }
0x68: {  	v49 =	vshll.u32 v3, $0x1  }
0x69: {  	v3 =	vand.u32 $0x7, v3;
	v4 =	vand.u32 $0xFFFFFFF0, v49  }
0x6a: {  	v3 =	vor.u32 v3, v4  }
0x6b: {  	v4 =	vperm.xlane v3, v0;
	_ =	sdelay $0x1  }
0x6c: {  	v3 =	vperm.xlane v3, v2;
	v4 =	vadd.s32 v1, v4;
	_ =	sdelay $0x1  }
0x6d: {  	v3 =	vadd.s32 v1, v3;
	_ =	sdelay $0x1  }
0x6e: {  	s0 =	simm.s32 $0xA080  }
0x6f: {  	[tilespmem:s0], [sflag:$0x2] =	stream.indirect_vreg.gather [hbm4b:s3+s4], $0x80, v4, vm0, $0xb8;
	[tilespmem:$0xF080] =	vst v63  }
0x70: {  	_ = 	snop  }
0x71: {  	[tilespmem:s13], [sflag:$0x2] =	stream.indirect_vreg.gather [hbm4b:s3+s4], $0x80, v3, vm0, $0xb8;
	[tilespmem:$0xF080] =	vst v63  }
0x72: {  	v3 =	vld [tilespmem:$0x10];
	_ =	sdelay $0x4  }
0x73: {  	v50 =	vshll.u32 v3, $0x1  }
0x74: {  	v3 =	vand.u32 $0x7, v3;
	v4 =	vand.u32 $0xFFFFFFF0, v50  }
0x75: {  	v3 =	vor.u32 v3, v4  }
0x76: {  	v4 =	vperm.xlane v3, v0;
	_ =	sdelay $0x1  }
0x77: {  	v3 =	vperm.xlane v3, v2;
	v4 =	vadd.s32 v1, v4;
	_ =	sdelay $0x1  }
0x78: {  	v3 =	vadd.s32 v1, v3;
	_ =	sdelay $0x1  }
0x79: {  	s8 =	simm.s32 $0xB080  }
0x7a: {  	[tilespmem:s8], [sflag:$0x2] =	stream.indirect_vreg.gather [hbm4b:s3+s4], $0x80, v4, vm0, $0xb8;
	[tilespmem:$0xF080] =	vst v63  }
0x7b: {  	s14 =	simm.s32 $0xB880  }
0x7c: {  	[tilespmem:s14], [sflag:$0x2] =	stream.indirect_vreg.gather [hbm4b:s3+s4], $0x80, v3, vm0, $0xb8;
	[tilespmem:$0xF080] =	vst v63  }
0x7d: {  	v3 =	vld [tilespmem:$0x20];
	_ =	sdelay $0x4  }
0x7e: {  	v51 =	vshll.u32 v3, $0x1  }
0x7f: {  	v3 =	vand.u32 $0x7, v3;
	v4 =	vand.u32 $0xFFFFFFF0, v51  }
0x80: {  	v3 =	vor.u32 v3, v4  }
0x81: {  	v4 =	vperm.xlane v3, v0;
	_ =	sdelay $0x1  }
0x82: {  	v3 =	vperm.xlane v3, v2;
	v4 =	vadd.s32 v1, v4;
	_ =	sdelay $0x1  }
0x83: {  	v3 =	vadd.s32 v1, v3;
	_ =	sdelay $0x1  }
0x84: {  	s16 =	simm.s32 $0xC080  }
0x85: {  	[tilespmem:s16], [sflag:$0x2] =	stream.indirect_vreg.gather [hbm4b:s3+s4], $0x80, v4, vm0, $0xb8;
	[tilespmem:$0xF080] =	vst v63  }
0x86: {  	s16 =	simm.s32 $0xC880  }
0x87: {  	[tilespmem:s16], [sflag:$0x2] =	stream.indirect_vreg.gather [hbm4b:s3+s4], $0x80, v3, vm0, $0xb8;
	[tilespmem:$0xF080] =	vst v63  }
0x88: {  	v3 =	vld [tilespmem:$0x30];
	_ =	sdelay $0x4  }
0x89: {  	v52 =	vshll.u32 v3, $0x1  }
0x8a: {  	v3 =	vand.u32 $0x7, v3;
	v4 =	vand.u32 $0xFFFFFFF0, v52  }
0x8b: {  	v3 =	vor.u32 v3, v4  }
0x8c: {  	v4 =	vperm.xlane v3, v0;
	_ =	sdelay $0x1  }
0x8d: {  	v3 =	vperm.xlane v3, v2;
	v4 =	vadd.s32 v1, v4;
	_ =	sdelay $0x1  }
0x8e: {  	v3 =	vadd.s32 v1, v3;
	_ =	sdelay $0x1  }
0x8f: {  	s16 =	simm.s32 $0xD080  }
0x90: {  	[tilespmem:s16], [sflag:$0x2] =	stream.indirect_vreg.gather [hbm4b:s3+s4], $0x80, v4, vm0, $0xb8;
	[tilespmem:$0xF080] =	vst v63  }
0x91: {  	s16 =	simm.s32 $0xD880  }
0x92: {  	[tilespmem:s16], [sflag:$0x2] =	stream.indirect_vreg.gather [hbm4b:s3+s4], $0x80, v3, vm0, $0xb8;
	[tilespmem:$0xF080] =	vst v63  }
0x93: {  	v3 =	vld [tilespmem:$0x40];
	_ =	sdelay $0x4  }
0x94: {  	v53 =	vshll.u32 v3, $0x1  }
0x95: {  	v3 =	vand.u32 $0x7, v3;
	v4 =	vand.u32 $0xFFFFFFF0, v53  }
0x96: {  	v3 =	vor.u32 v3, v4  }
0x97: {  	v4 =	vperm.xlane v3, v0;
	_ =	sdelay $0x1  }
0x98: {  	v3 =	vperm.xlane v3, v2;
	v4 =	vadd.s32 v1, v4;
	_ =	sdelay $0x1  }
0x99: {  	v3 =	vadd.s32 v1, v3;
	_ =	sdelay $0x1  }
0x9a: {  	s16 =	simm.s32 $0xE080  }
0x9b: {  	[tilespmem:s16], [sflag:$0x2] =	stream.indirect_vreg.gather [hbm4b:s3+s4], $0x80, v4, vm0, $0xb8;
	[tilespmem:$0xF080] =	vst v63  }
0x9c: {  	s16 =	simm.s32 $0xE880  }
0x9d: {  	[tilespmem:s16], [sflag:$0x2] =	stream.indirect_vreg.gather [hbm4b:s3+s4], $0x80, v3, vm0, $0xb8;
	[tilespmem:$0xF080] =	vst v63  }
0x9e: {  	_ =	swait.ge [sflag:s2], $0xA000  }
0x9f: {  	[sflag:s2] =	ssyncset.done $0x0  }
0xa0: {  	[sflag:s2] =	ssyncadd.s32 $0xFFFF6000  }
0xa1: {  	_ =	swait.ge [sflag:s15], $0x5000  }
0xa2: {  	[sflag:s15] =	ssyncset.done $0x0  }
0xa3: {  	s14 =	simm.s32 $0x80;
	s16 =	rddreg [dreg:$0x5];
	[sflag:s15] =	ssyncadd.s32 $0xFFFFB000  }
0xa4: {  	[hbm4b:s16+s4] =	stream.linear.scatter [tilespmem:s14], [sflag:$0x3], $0xA000, $0x38;
	[tilespmem:$0xF080] =	vst v63  }
0xa5: {  	_ =	swait.ge [sflag:s7], $0xA000  }
0xa6: {  	[sflag:s7] =	ssyncset.done $0x0  }
0xa7: {  	s16 =	rddreg [dreg:$0x6];
	[sflag:s7] =	ssyncadd.s32 $0xFFFF6000  }
0xa8: {  	[hbm4b:s16+s4] =	stream.linear.scatter [tilespmem:s0], [sflag:$0x3], $0x5000, $0x38;
	[tilespmem:$0xF080] =	vst v63  }
0xa9: {  	_ =	swait.ge [sflag:s7], $0x5000  }
0xaa: {  	[sflag:s7] =	ssyncset.done $0x0  }
0xab: {  	s16 =	rddreg [dreg:$0x7];
	[sflag:s7] =	ssyncadd.s32 $0xFFFFB000  }
0xac: {  	[tilespmem:s4], [sflag:$0x3] =	stream.linear.gather [hbm4b:s16+s4], $0x50, $0x38;
	[tilespmem:$0xF080] =	vst v63  }
0xad: {  	_ =	swait.ge [sflag:s7], $0x50  }
0xae: {  	[sflag:s7] =	ssyncset.done $0x0  }
0xaf: {  	[sflag:s7] =	ssyncadd.s32 $0xFFFFFFB0  }
0xb0: {  	v3 =	vld [tilespmem:$0x0];
	_ =	sdelay $0x4  }
0xb1: {  	v54 =	vshll.u32 v3, $0x2  }
0xb2: {  	v3 =	vand.u32 $0x7, v3;
	v4 =	vand.u32 $0xFFFFFFE0, v54  }
0xb3: {  	v3 =	vor.u32 v3, v4  }
0xb4: {  	v4 =	vperm.xlane v3, v0;
	_ =	sdelay $0x1  }
0xb5: {  	v4 =	vadd.s32 v1, v4;
	_ =	sdelay $0x1  }
0xb6: {  	v3 =	vperm.xlane v3, v2;
	_ =	sdelay $0x1  }
0xb7: {  	v3 =	vadd.s32 v1, v3  }
0xb8: {  	[tilespmem:s14], [sflag:$0x1] =	stream.indirect_vreg.gather [hbm4b:s1+s4], $0x80, v4, vm0, $0xb8;
	[tilespmem:$0xF080] =	vst v63  }
0xb9: {  	_ = 	snop  }
0xba: {  	[tilespmem:s17], [sflag:$0x1] =	stream.indirect_vreg.gather [hbm4b:s5+s4], $0x80, v4, vm0, $0xb8;
	[tilespmem:$0xF080] =	vst v63  }
0xbb: {  	_ = 	snop  }
0xbc: {  	[tilespmem:s18], [sflag:$0x1] =	stream.indirect_vreg.gather [hbm4b:s1+s4], $0x80, v3, vm0, $0xb8;
	[tilespmem:$0xF080] =	vst v63  }
0xbd: {  	_ = 	snop  }
0xbe: {  	[tilespmem:s19], [sflag:$0x1] =	stream.indirect_vreg.gather [hbm4b:s5+s4], $0x80, v3, vm0, $0xb8;
	[tilespmem:$0xF080] =	vst v63  }
0xbf: {  	v3 =	vld [tilespmem:$0x10];
	_ =	sdelay $0x4  }
0xc0: {  	v55 =	vshll.u32 v3, $0x2  }
0xc1: {  	v3 =	vand.u32 $0x7, v3;
	v4 =	vand.u32 $0xFFFFFFE0, v55  }
0xc2: {  	v3 =	vor.u32 v3, v4  }
0xc3: {  	v4 =	vperm.xlane v3, v0;
	_ =	sdelay $0x1  }
0xc4: {  	v4 =	vadd.s32 v1, v4;
	_ =	sdelay $0x1  }
0xc5: {  	v3 =	vperm.xlane v3, v2;
	_ =	sdelay $0x1  }
0xc6: {  	v3 =	vadd.s32 v1, v3  }
0xc7: {  	[tilespmem:s20], [sflag:$0x1] =	stream.indirect_vreg.gather [hbm4b:s1+s4], $0x80, v4, vm0, $0xb8;
	[tilespmem:$0xF080] =	vst v63  }
0xc8: {  	_ = 	snop  }
0xc9: {  	[tilespmem:s21], [sflag:$0x1] =	stream.indirect_vreg.gather [hbm4b:s5+s4], $0x80, v4, vm0, $0xb8;
	[tilespmem:$0xF080] =	vst v63  }
0xca: {  	_ = 	snop  }
0xcb: {  	[tilespmem:s22], [sflag:$0x1] =	stream.indirect_vreg.gather [hbm4b:s1+s4], $0x80, v3, vm0, $0xb8;
	[tilespmem:$0xF080] =	vst v63  }
0xcc: {  	_ = 	snop  }
0xcd: {  	[tilespmem:s23], [sflag:$0x1] =	stream.indirect_vreg.gather [hbm4b:s5+s4], $0x80, v3, vm0, $0xb8;
	[tilespmem:$0xF080] =	vst v63  }
0xce: {  	v3 =	vld [tilespmem:$0x20];
	_ =	sdelay $0x4  }
0xcf: {  	v56 =	vshll.u32 v3, $0x2  }
0xd0: {  	v3 =	vand.u32 $0x7, v3;
	v4 =	vand.u32 $0xFFFFFFE0, v56  }
0xd1: {  	v3 =	vor.u32 v3, v4  }
0xd2: {  	v4 =	vperm.xlane v3, v0;
	_ =	sdelay $0x1  }
0xd3: {  	v4 =	vadd.s32 v1, v4;
	_ =	sdelay $0x1  }
0xd4: {  	v3 =	vperm.xlane v3, v2;
	_ =	sdelay $0x1  }
0xd5: {  	v3 =	vadd.s32 v1, v3  }
0xd6: {  	[tilespmem:s24], [sflag:$0x1] =	stream.indirect_vreg.gather [hbm4b:s1+s4], $0x80, v4, vm0, $0xb8;
	[tilespmem:$0xF080] =	vst v63  }
0xd7: {  	_ = 	snop  }
0xd8: {  	[tilespmem:s25], [sflag:$0x1] =	stream.indirect_vreg.gather [hbm4b:s5+s4], $0x80, v4, vm0, $0xb8;
	[tilespmem:$0xF080] =	vst v63  }
0xd9: {  	_ = 	snop  }
0xda: {  	[tilespmem:s26], [sflag:$0x1] =	stream.indirect_vreg.gather [hbm4b:s1+s4], $0x80, v3, vm0, $0xb8;
	[tilespmem:$0xF080] =	vst v63  }
0xdb: {  	_ = 	snop  }
0xdc: {  	[tilespmem:s28], [sflag:$0x1] =	stream.indirect_vreg.gather [hbm4b:s5+s4], $0x80, v3, vm0, $0xb8;
	[tilespmem:$0xF080] =	vst v63  }
0xdd: {  	v3 =	vld [tilespmem:$0x30];
	_ =	sdelay $0x4  }
0xde: {  	v57 =	vshll.u32 v3, $0x2  }
0xdf: {  	v3 =	vand.u32 $0x7, v3;
	v4 =	vand.u32 $0xFFFFFFE0, v57  }
0xe0: {  	v3 =	vor.u32 v3, v4  }
0xe1: {  	v4 =	vperm.xlane v3, v0;
	_ =	sdelay $0x1  }
0xe2: {  	v4 =	vadd.s32 v1, v4;
	_ =	sdelay $0x1  }
0xe3: {  	v3 =	vperm.xlane v3, v2;
	_ =	sdelay $0x1  }
0xe4: {  	v3 =	vadd.s32 v1, v3  }
0xe5: {  	[tilespmem:s30], [sflag:$0x1] =	stream.indirect_vreg.gather [hbm4b:s1+s4], $0x80, v4, vm0, $0xb8;
	[tilespmem:$0xF080] =	vst v63  }
0xe6: {  	_ = 	snop  }
0xe7: {  	[tilespmem:s31], [sflag:$0x1] =	stream.indirect_vreg.gather [hbm4b:s5+s4], $0x80, v4, vm0, $0xb8;
	[tilespmem:$0xF080] =	vst v63  }
0xe8: {  	_ = 	snop  }
0xe9: {  	[tilespmem:s29], [sflag:$0x1] =	stream.indirect_vreg.gather [hbm4b:s1+s4], $0x80, v3, vm0, $0xb8;
	[tilespmem:$0xF080] =	vst v63  }
0xea: {  	s16 =	simm.s32 $0x7880  }
0xeb: {  	[tilespmem:s16], [sflag:$0x1] =	stream.indirect_vreg.gather [hbm4b:s5+s4], $0x80, v3, vm0, $0xb8;
	[tilespmem:$0xF080] =	vst v63  }
0xec: {  	v3 =	vld [tilespmem:$0x40];
	_ =	sdelay $0x4  }
0xed: {  	v58 =	vshll.u32 v3, $0x2  }
0xee: {  	v3 =	vand.u32 $0x7, v3;
	v4 =	vand.u32 $0xFFFFFFE0, v58  }
0xef: {  	v3 =	vor.u32 v3, v4  }
0xf0: {  	v4 =	vperm.xlane v3, v0;
	_ =	sdelay $0x1  }
0xf1: {  	v4 =	vadd.s32 v1, v4;
	_ =	sdelay $0x1  }
0xf2: {  	v3 =	vperm.xlane v3, v2;
	_ =	sdelay $0x1  }
0xf3: {  	v3 =	vadd.s32 v1, v3  }
0xf4: {  	[tilespmem:s9], [sflag:$0x1] =	stream.indirect_vreg.gather [hbm4b:s1+s4], $0x80, v4, vm0, $0xb8;
	[tilespmem:$0xF080] =	vst v63  }
0xf5: {  	_ = 	snop  }
0xf6: {  	[tilespmem:s10], [sflag:$0x1] =	stream.indirect_vreg.gather [hbm4b:s5+s4], $0x80, v4, vm0, $0xb8;
	[tilespmem:$0xF080] =	vst v63  }
0xf7: {  	_ = 	snop  }
0xf8: {  	[tilespmem:s11], [sflag:$0x1] =	stream.indirect_vreg.gather [hbm4b:s1+s4], $0x80, v3, vm0, $0xb8;
	[tilespmem:$0xF080] =	vst v63  }
0xf9: {  	_ = 	snop  }
0xfa: {  	[tilespmem:s12], [sflag:$0x1] =	stream.indirect_vreg.gather [hbm4b:s5+s4], $0x80, v3, vm0, $0xb8;
	[tilespmem:$0xF080] =	vst v63  }
0xfb: {  	v3 =	vld [tilespmem:$0x0];
	_ =	sdelay $0x4  }
0xfc: {  	v59 =	vshll.u32 v3, $0x1  }
0xfd: {  	v3 =	vand.u32 $0x7, v3;
	v4 =	vand.u32 $0xFFFFFFF0, v59  }
0xfe: {  	v3 =	vor.u32 v3, v4  }
0xff: {  	v4 =	vperm.xlane v3, v0;
	_ =	sdelay $0x1  }
0x100: {  	v3 =	vperm.xlane v3, v2;
	v4 =	vadd.s32 v1, v4;
	_ =	sdelay $0x1  }
0x101: {  	v3 =	vadd.s32 v1, v3;
	_ =	sdelay $0x2  }
0x102: {  	[tilespmem:s0], [sflag:$0x2] =	stream.indirect_vreg.gather [hbm4b:s3+s4], $0x80, v4, vm0, $0xb8;
	[tilespmem:$0xF080] =	vst v63  }
0x103: {  	_ = 	snop  }
0x104: {  	[tilespmem:s13], [sflag:$0x2] =	stream.indirect_vreg.gather [hbm4b:s3+s4], $0x80, v3, vm0, $0xb8;
	[tilespmem:$0xF080] =	vst v63  }
0x105: {  	v3 =	vld [tilespmem:$0x10];
	_ =	sdelay $0x4  }
0x106: {  	v60 =	vshll.u32 v3, $0x1  }
0x107: {  	v3 =	vand.u32 $0x7, v3;
	v4 =	vand.u32 $0xFFFFFFF0, v60  }
0x108: {  	v3 =	vor.u32 v3, v4  }
0x109: {  	v4 =	vperm.xlane v3, v0;
	_ =	sdelay $0x1  }
0x10a: {  	v3 =	vperm.xlane v3, v2;
	v4 =	vadd.s32 v1, v4;
	_ =	sdelay $0x1  }
0x10b: {  	v3 =	vadd.s32 v1, v3;
	_ =	sdelay $0x2  }
0x10c: {  	[tilespmem:s8], [sflag:$0x2] =	stream.indirect_vreg.gather [hbm4b:s3+s4], $0x80, v4, vm0, $0xb8;
	[tilespmem:$0xF080] =	vst v63  }
0x10d: {  	s16 =	simm.s32 $0xB880  }
0x10e: {  	[tilespmem:s16], [sflag:$0x2] =	stream.indirect_vreg.gather [hbm4b:s3+s4], $0x80, v3, vm0, $0xb8;
	[tilespmem:$0xF080] =	vst v63  }
0x10f: {  	v3 =	vld [tilespmem:$0x20];
	_ =	sdelay $0x4  }
0x110: {  	v61 =	vshll.u32 v3, $0x1  }
0x111: {  	v3 =	vand.u32 $0x7, v3;
	v4 =	vand.u32 $0xFFFFFFF0, v61  }
0x112: {  	v3 =	vor.u32 v3, v4  }
0x113: {  	v4 =	vperm.xlane v3, v0;
	_ =	sdelay $0x1  }
0x114: {  	v3 =	vperm.xlane v3, v2;
	v4 =	vadd.s32 v1, v4;
	_ =	sdelay $0x1  }
0x115: {  	v3 =	vadd.s32 v1, v3;
	_ =	sdelay $0x1  }
0x116: {  	s14 =	simm.s32 $0xC080  }
0x117: {  	[tilespmem:s14], [sflag:$0x2] =	stream.indirect_vreg.gather [hbm4b:s3+s4], $0x80, v4, vm0, $0xb8;
	[tilespmem:$0xF080] =	vst v63  }
0x118: {  	s16 =	simm.s32 $0xC880  }
0x119: {  	[tilespmem:s16], [sflag:$0x2] =	stream.indirect_vreg.gather [hbm4b:s3+s4], $0x80, v3, vm0, $0xb8;
	[tilespmem:$0xF080] =	vst v63  }
0x11a: {  	v3 =	vld [tilespmem:$0x30];
	_ =	sdelay $0x4  }
0x11b: {  	v62 =	vshll.u32 v3, $0x1  }
0x11c: {  	v3 =	vand.u32 $0x7, v3;
	v4 =	vand.u32 $0xFFFFFFF0, v62  }
0x11d: {  	v3 =	vor.u32 v3, v4  }
0x11e: {  	v4 =	vperm.xlane v3, v0;
	_ =	sdelay $0x1  }
0x11f: {  	v3 =	vperm.xlane v3, v2;
	v4 =	vadd.s32 v1, v4;
	_ =	sdelay $0x1  }
0x120: {  	v3 =	vadd.s32 v1, v3;
	_ =	sdelay $0x1  }
0x121: {  	s14 =	simm.s32 $0xD080  }
0x122: {  	[tilespmem:s14], [sflag:$0x2] =	stream.indirect_vreg.gather [hbm4b:s3+s4], $0x80, v4, vm0, $0xb8;
	[tilespmem:$0xF080] =	vst v63  }
0x123: {  	s16 =	simm.s32 $0xD880  }
0x124: {  	[tilespmem:s16], [sflag:$0x2] =	stream.indirect_vreg.gather [hbm4b:s3+s4], $0x80, v3, vm0, $0xb8;
	[tilespmem:$0xF080] =	vst v63  }
0x125: {  	v3 =	vld [tilespmem:$0x40];
	_ =	sdelay $0x4  }
0x126: {  	v63 =	vshll.u32 v3, $0x1  }
0x127: {  	v3 =	vand.u32 $0x7, v3;
	v4 =	vand.u32 $0xFFFFFFF0, v63  }
0x128: {  	v3 =	vor.u32 v3, v4  }
0x129: {  	v4 =	vperm.xlane v3, v0;
	_ =	sdelay $0x1  }
0x12a: {  	v3 =	vperm.xlane v3, v2;
	v4 =	vadd.s32 v1, v4;
	_ =	sdelay $0x1  }
0x12b: {  	v3 =	vadd.s32 v1, v3;
	_ =	sdelay $0x1  }
0x12c: {  	s14 =	simm.s32 $0xE080  }
0x12d: {  	[tilespmem:s14], [sflag:$0x2] =	stream.indirect_vreg.gather [hbm4b:s3+s4], $0x80, v4, vm0, $0xb8;
	[tilespmem:$0xF080] =	vst v63  }
0x12e: {  	s16 =	simm.s32 $0xE880  }
0x12f: {  	[tilespmem:s16], [sflag:$0x2] =	stream.indirect_vreg.gather [hbm4b:s3+s4], $0x80, v3, vm0, $0xb8;
	[tilespmem:$0xF080] =	vst v63  }
0x130: {  	_ =	swait.ge [sflag:s2], $0xA000  }
0x131: {  	[sflag:s2] =	ssyncset.done $0x0  }
0x132: {  	[sflag:s2] =	ssyncadd.s32 $0xFFFF6000  }
0x133: {  	_ =	swait.ge [sflag:s15], $0x5000  }
0x134: {  	[sflag:s15] =	ssyncset.done $0x0  }
0x135: {  	s14 =	simm.s32 $0x80;
	s8 =	rddreg [dreg:$0x8];
	[sflag:s15] =	ssyncadd.s32 $0xFFFFB000  }
0x136: {  	[hbm4b:s8+s4] =	stream.linear.scatter [tilespmem:s14], [sflag:$0x3], $0xA000, $0x38;
	[tilespmem:$0xF080] =	vst v63  }
0x137: {  	_ =	swait.ge [sflag:s7], $0xA000  }
0x138: {  	p0 =	sne.s32 s6, $0x1;
	[sflag:s7] =	ssyncset.done $0x0  }
.Ltmp0:
0x139: {  	s14 =	rddreg [dreg:$0x9];
	[sflag:s7] =	ssyncadd.s32 $0xFFFF6000;
	(pc) =	sbr.rel @p0 .LBB2_1-.Ltmp0, $4  }
0x13a: {  	[hbm4b:s14+s4] =	stream.linear.scatter [tilespmem:s0], [sflag:$0x3], $0x5000, $0x38;
	[tilespmem:$0xF080] =	vst v63  }
0x13b: {  	_ =	swait.ge [sflag:s7], $0x5000  }
0x13c: {  	[sflag:s7] =	ssyncset.done $0x0  }
0x13d: {  	s6 =	sadd.s32 $0xFFFFFFFF, s6;
	[sflag:s7] =	ssyncadd.s32 $0xFFFFB000  }
0x13e: {  	_ =	sfence.sel $0x180000  }
0x13f: {  	[bflag:$0x0] =	sbarrier.arrive $0xFFFF  }
0x140: {  	_ =	strace $0x90000047  }
0x141: {  	s0 =	stileid.u32;
	[bflag:$0x2] =	sbarrier.arrive $0xFFFF  }
0x142: {  	p0 =	sne.s32 s0, $0x0;
	s0 =	rddreg [dreg:$0x3]  }
0x143: {  	s0 =	sadd.s32 @!p0 $0x100000, s0  }
0x144: {  	[sflag:s0] =	ssyncadd.tile.s32 @!p0 $0x1;
	_ =	shalt  }
.Lfunc_end2:
_tile_overlayer_lowered:
.L_overlay_start_2:
0x145: {  	(tag) =	ssettag $0x2  }
0x146: {  	s0 =	rddreg [dreg:$0x0];
	s2 =	stileid.u32  }
0x147: {  	s1 =	rddreg [dreg:$0x1];
	p0 =	sne.s32 s2, $0x0  }
0x148: {  	s3 =	rddreg [dreg:$0x2];
	[bflag:$0x3] =	sbarrier.arrive $0xFFFF;
	s2 =	simm.s32 @!p0 $0x1C03  }
0x149: {  	[timem:s3], [sflag:s2] =	dma.local @!p0 [hbm:s0], s1  }
0x14a: {  	s0 =	simm.s32 @!p0 $0x3  }
0x14b: {  	_ =	swait.ge @!p0 [sflag:s0], s1  }
0x14c: {  	s1 =	ssub.s32 @!p0 $0x0, s1;
	[sflag:s0] =	ssyncset.done @!p0 $0x0  }
0x14d: {  	[sflag:s0] =	ssyncadd.s32 @!p0 s1  }
0x14e: {  	[bflag:$0x3] =	sbarrier.arrive $0xFFFF  }
0x14f: {  	_ =	shalt  }

</sc_bundles>
